<compile_context>
chip_gen: v7x
topology: tpu7x:2x2x1
jax: 0.10.2.dev20260603
libtpu: 0.0.44.dev20260713+nightly
codegen_flags: <defaults>
</compile_context>

<pallas_src>
import jax
import jax.numpy as jnp
from jax import lax
from jax.experimental import pallas as pl
from jax.experimental.pallas import tpu as pltpu
from jax.experimental.pallas import tpu_sc as plsc

NC = 2
NS = 16
L = 16
NW = NC * NS

BATCH = 16384
EMBED_K = 16
BPW = BATCH // NW
C = 4
SLOTS = 6
NCHUNK = BPW // C


def _sc_body(ui_hbm, ii_hbm, wt_hbm, ht_hbm, out_hbm,
             uiv, iiv, ubuf, vbuf, outv, dummy, semu, semv):
    wid = lax.axis_index("s") * NC + lax.axis_index("c")
    base = wid * BPW

    pltpu.sync_copy(ui_hbm.at[pl.ds(base, BPW)], uiv.at[pl.ds(0, BPW)])
    pltpu.sync_copy(ii_hbm.at[pl.ds(base, BPW)], iiv.at[pl.ds(0, BPW)])

    lanes = lax.iota(jnp.int32, L)

    def chunk_vecs(c):
        return uiv[pl.ds(c * C, L)], iiv[pl.ds(c * C, L)]

    def fire(c, slot):
        uvec, ivec = chunk_vecs(c)
        for k in range(C):
            r = uvec[k]
            rb = pl.multiple_of(r & ~127, 128)
            pltpu.async_copy(
                wt_hbm.at[:, pl.ds(rb, 128)], ubuf.at[slot, k], semu.at[slot])
            q = ivec[k]
            qb = pl.multiple_of(q & ~127, 128)
            pltpu.async_copy(
                ht_hbm.at[:, pl.ds(qb, 128)], vbuf.at[slot, k], semv.at[slot])

    def drain(slot):
        pltpu.make_async_copy(dummy, ubuf.at[slot], semu.at[slot]).wait()
        pltpu.make_async_copy(dummy, vbuf.at[slot], semv.at[slot]).wait()

    def compute(c, slot, off):
        uvec, ivec = chunk_vecs(c)
        dots = jnp.zeros((L,), jnp.float32)
        for k in range(C):
            rm = uvec[k] & 127
            qm = ivec[k] & 127
            u = plsc.load_gather(
                ubuf.at[slot, k], [lanes, jnp.zeros((L,), jnp.int32) + rm])
            v = plsc.load_gather(
                vbuf.at[slot, k], [lanes, jnp.zeros((L,), jnp.int32) + qm])
            s = jnp.sum(u * v)
            dots = jnp.where(lanes == off + k, s, dots)
        return dots

    AHEAD = SLOTS - 1
    CPB = L // C
    for j in range(AHEAD):
        fire(j, j)

    def chunk_body(c, carry):
        slot = lax.rem(c, SLOTS)

        @pl.when(c + AHEAD < NCHUNK)
        def _():
            fire(c + AHEAD, lax.rem(c + AHEAD, SLOTS))

        drain(slot)
        blk = (c // CPB) * L
        h = lax.rem(c, CPB) * C
        dots = compute(c, slot, h)

        ob = outv[pl.ds(blk, L)]
        ob = jnp.where((lanes >= h) & (lanes < h + C), dots, ob)
        outv[pl.ds(blk, L)] = ob
        return carry

    lax.fori_loop(0, NCHUNK, chunk_body, jnp.int32(0))

    pltpu.sync_copy(outv, out_hbm.at[pl.ds(base, BPW)])


@jax.jit
def _mf_dot(x, W, H):
    ui = x[:, 0]
    ii = x[:, 1]
    wt = W.T
    ht = H.T
    mesh = plsc.VectorSubcoreMesh(core_axis_name="c", subcore_axis_name="s")
    return pl.kernel(
        _sc_body,
        out_type=jax.ShapeDtypeStruct((BATCH,), jnp.float32),
        mesh=mesh,
        compiler_params=pltpu.CompilerParams(
            needs_layout_passes=False, use_tc_tiling_on_sc=True),
        scratch_types=[
            pltpu.VMEM((BPW + L,), jnp.int32),
            pltpu.VMEM((BPW + L,), jnp.int32),
            pltpu.VMEM((SLOTS, C, EMBED_K, 128), jnp.float32),
            pltpu.VMEM((SLOTS, C, EMBED_K, 128), jnp.float32),
            pltpu.VMEM((BPW,), jnp.float32),
            pltpu.HBM((C, EMBED_K, 128), jnp.float32),
            pltpu.SemaphoreType.DMA((SLOTS,)),
            pltpu.SemaphoreType.DMA((SLOTS,)),
        ],
    )(ui, ii, wt, ht)


def kernel(x, W, H):
    return _mf_dot(x.astype(jnp.int32), W, H)

# --- scband reference (transcript-rebuilt; emitter-appended) ---
"""Pipeline reference for scband-mf-cvib-4750233829558 (READ-ONLY COPY).

The authoritative reference and input builder live on the scoring server;
editing this copy changes nothing except your own understanding.
"""

import jax, jax.numpy as jnp
import numpy as np

NUM_USERS = 1000000
NUM_ITEMS = 1000000
EMBED_K = 16
BATCH = 16384

def setup_inputs(seed: int = 0) -> dict:
    key = jax.random.key(seed)
    k1, k2, k3 = jax.random.split(key, 3)
    x = jax.random.randint(k1, (BATCH, 2), 0, NUM_USERS, dtype=jnp.int64) if jax.config.jax_enable_x64 else jax.random.randint(k1, (BATCH, 2), 0, NUM_USERS, dtype=jnp.int32)
    W = jax.random.normal(k2, (NUM_USERS, EMBED_K), dtype=jnp.float32)
    H = jax.random.normal(k3, (NUM_ITEMS, EMBED_K), dtype=jnp.float32)
    return {"x": x, "W": W, "H": H}

def reference(x, W, H):
    user_idx = x[:, 0]
    item_idx = x[:, 1]
    U_emb = jnp.take(W, user_idx, axis=0)
    V_emb = jnp.take(H, item_idx, axis=0)
    out = jnp.sum(U_emb * V_emb, axis=1)
    return out

if __name__ == "__main__":
    import jax
    _d = setup_inputs()
    print(jax.jit(kernel)(*tuple(_d.values())))

</pallas_src>

<mosaic_0001>
#map = affine_map<(d0, d1) -> (0)>
#map1 = affine_map<(d0, d1) -> (0, 0)>
module attributes {stable_mosaic.version = 14 : i64} {
  func.func @_sc_body(%arg0: i32, %arg1: i32, %arg2: memref<16384xi32, #tpu.memory_space<hbm>>, %arg3: memref<16384xi32, #tpu.memory_space<hbm>>, %arg4: memref<16x1000000xf32, #tpu.memory_space<hbm>>, %arg5: memref<16x1000000xf32, #tpu.memory_space<hbm>>, %arg6: memref<16384xf32, #tpu.memory_space<hbm>>, %arg7: memref<528xi32, #tpu.memory_space<vmem>>, %arg8: memref<528xi32, #tpu.memory_space<vmem>>, %arg9: memref<6x4x16x128xf32, #tpu.memory_space<vmem>>, %arg10: memref<6x4x16x128xf32, #tpu.memory_space<vmem>>, %arg11: memref<512xf32, #tpu.memory_space<vmem>>, %arg12: memref<4x16x128xf32, #tpu.memory_space<hbm>>, %arg13: memref<6x!tpu.dma_semaphore, #tpu.memory_space<semaphore_mem>>, %arg14: memref<6x!tpu.dma_semaphore, #tpu.memory_space<semaphore_mem>>) attributes {dimension_semantics = [#tpu.dimension_semantics<core_parallel>, #tpu.dimension_semantics<subcore_parallel>], iteration_bounds = array<i64: 2, 16>, scalar_prefetch = 0 : i64, scratch_operands = 8 : i64, tpu.core_type = #tpu.core_type<sc_vector_subcore>, window_params = [{transform_indices = #map}, {transform_indices = #map}, {transform_indices = #map1}, {transform_indices = #map1}, {transform_indices = #map}]} {
    %mul3A = arith.constant 2 : i32
    %mul3A_0 = arith.muli %arg1, %mul3A : i32
    %add3A = arith.addi %mul3A_0, %arg0 : i32
    %mul3A_1 = arith.constant 512 : i32
    %mul3A_2 = arith.muli %add3A, %mul3A_1 : i32
    "tpu.region"() ({
      %run_scoped3A = tpu.sem_alloc : memref<!tpu.dma_semaphore, #tpu.memory_space<semaphore_mem>>
      %dma_start3A_902 = arith.constant 0 : i32
      %dma_start3A_903 = tpu.memref_slice %arg7[%dma_start3A_902] : memref<528xi32, #tpu.memory_space<vmem>> -> memref<512xi32, #tpu.memory_space<vmem>>
      %dma_start3A_904 = tpu.memref_slice %arg2[%mul3A_2] : memref<16384xi32, #tpu.memory_space<hbm>> -> memref<512xi32, #tpu.memory_space<hbm>>
      %dma_start3A_905 = arith.constant 0 : i32
      %dma_start3A_906 = tpu.memref_slice %arg7[%dma_start3A_905] : memref<528xi32, #tpu.memory_space<vmem>> -> memref<512xi32, #tpu.memory_space<vmem>>
      %dma_start3A_907 = tpu.memref_slice %arg2[%mul3A_2] : memref<16384xi32, #tpu.memory_space<hbm>> -> memref<512xi32, #tpu.memory_space<hbm>>
      tpu.enqueue_dma source(%dma_start3A_907 : memref<512xi32, #tpu.memory_space<hbm>>) target(%dma_start3A_906 : memref<512xi32, #tpu.memory_space<vmem>>) target_semaphore(%run_scoped3A : memref<!tpu.dma_semaphore, #tpu.memory_space<semaphore_mem>>)
      %dma_wait3A = arith.constant 0 : i32
      %dma_wait3A_908 = tpu.memref_slice %arg7[%dma_wait3A] : memref<528xi32, #tpu.memory_space<vmem>> -> memref<512xi32, #tpu.memory_space<vmem>>
      %dma_wait3A_909 = tpu.memref_slice %arg2[%mul3A_2] : memref<16384xi32, #tpu.memory_space<hbm>> -> memref<512xi32, #tpu.memory_space<hbm>>
      %dma_wait3A_910 = arith.constant 0 : i32
      %dma_wait3A_911 = tpu.memref_slice %arg7[%dma_wait3A_910] : memref<528xi32, #tpu.memory_space<vmem>> -> memref<512xi32, #tpu.memory_space<vmem>>
      %dma_wait3A_912 = tpu.memref_slice %arg2[%mul3A_2] : memref<16384xi32, #tpu.memory_space<hbm>> -> memref<512xi32, #tpu.memory_space<hbm>>
      tpu.wait_dma2 semaphore(%run_scoped3A : memref<!tpu.dma_semaphore, #tpu.memory_space<semaphore_mem>>) src(%dma_wait3A_912 : memref<512xi32, #tpu.memory_space<hbm>>) dst(%dma_wait3A_911 : memref<512xi32, #tpu.memory_space<vmem>>)
      tpu.yield
    }) : () -> ()
    "tpu.region"() ({
      %run_scoped3A = tpu.sem_alloc : memref<!tpu.dma_semaphore, #tpu.memory_space<semaphore_mem>>
      %dma_start3A_902 = arith.constant 0 : i32
      %dma_start3A_903 = tpu.memref_slice %arg8[%dma_start3A_902] : memref<528xi32, #tpu.memory_space<vmem>> -> memref<512xi32, #tpu.memory_space<vmem>>
      %dma_start3A_904 = tpu.memref_slice %arg3[%mul3A_2] : memref<16384xi32, #tpu.memory_space<hbm>> -> memref<512xi32, #tpu.memory_space<hbm>>
      %dma_start3A_905 = arith.constant 0 : i32
      %dma_start3A_906 = tpu.memref_slice %arg8[%dma_start3A_905] : memref<528xi32, #tpu.memory_space<vmem>> -> memref<512xi32, #tpu.memory_space<vmem>>
      %dma_start3A_907 = tpu.memref_slice %arg3[%mul3A_2] : memref<16384xi32, #tpu.memory_space<hbm>> -> memref<512xi32, #tpu.memory_space<hbm>>
      tpu.enqueue_dma source(%dma_start3A_907 : memref<512xi32, #tpu.memory_space<hbm>>) target(%dma_start3A_906 : memref<512xi32, #tpu.memory_space<vmem>>) target_semaphore(%run_scoped3A : memref<!tpu.dma_semaphore, #tpu.memory_space<semaphore_mem>>)
      %dma_wait3A = arith.constant 0 : i32
      %dma_wait3A_908 = tpu.memref_slice %arg8[%dma_wait3A] : memref<528xi32, #tpu.memory_space<vmem>> -> memref<512xi32, #tpu.memory_space<vmem>>
      %dma_wait3A_909 = tpu.memref_slice %arg3[%mul3A_2] : memref<16384xi32, #tpu.memory_space<hbm>> -> memref<512xi32, #tpu.memory_space<hbm>>
      %dma_wait3A_910 = arith.constant 0 : i32
      %dma_wait3A_911 = tpu.memref_slice %arg8[%dma_wait3A_910] : memref<528xi32, #tpu.memory_space<vmem>> -> memref<512xi32, #tpu.memory_space<vmem>>
      %dma_wait3A_912 = tpu.memref_slice %arg3[%mul3A_2] : memref<16384xi32, #tpu.memory_space<hbm>> -> memref<512xi32, #tpu.memory_space<hbm>>
      tpu.wait_dma2 semaphore(%run_scoped3A : memref<!tpu.dma_semaphore, #tpu.memory_space<semaphore_mem>>) src(%dma_wait3A_912 : memref<512xi32, #tpu.memory_space<hbm>>) dst(%dma_wait3A_911 : memref<512xi32, #tpu.memory_space<vmem>>)
      tpu.yield
    }) : () -> ()
    %iota3A = tpu.iota {dimensions = array<i32: 0>} : vector<16xi32>
    %get3A = arith.constant 0 : index
    %get3A_3 = tpu.vector_load %arg7[%get3A] {strides = array<i32>} : memref<528xi32, #tpu.memory_space<vmem>>, vector<16xi32>,
    %get3A_4 = arith.constant 0 : index
    %get3A_5 = tpu.vector_load %arg8[%get3A_4] {strides = array<i32>} : memref<528xi32, #tpu.memory_space<vmem>>, vector<16xi32>,
    %slice3A = vector.extract_strided_slice %get3A_3 {offsets = [0], sizes = [1], strides = [1]} : vector<16xi32> to vector<1xi32>
    %squeeze3A = vector.extract %slice3A[0] : i32 from vector<1xi32>
    %and3A = arith.constant -128 : i32
    %and3A_6 = arith.andi %squeeze3A, %and3A : i32
    %multiple_of3A = tpu.assume_multiple %and3A_6, 128 : i32
    %dma_start3A = arith.constant 0 : i32
    %dma_start3A_7 = arith.constant 0 : i32
    %dma_start3A_8 = arith.constant 0 : i32
    %dma_start3A_9 = arith.constant 0 : i32
    %dma_start3A_10 = arith.constant 0 : i32
    %dma_start3A_11 = tpu.memref_slice %arg9[%dma_start3A, %dma_start3A_7, %dma_start3A_9, %dma_start3A_10] : memref<6x4x16x128xf32, #tpu.memory_space<vmem>> -> memref<1x1x16x128xf32, #tpu.memory_space<vmem>>
    %dma_start3A_12 = tpu.memref_squeeze %dma_start3A_11 : memref<1x1x16x128xf32, #tpu.memory_space<vmem>> -> memref<16x128xf32, #tpu.memory_space<vmem>>
    %dma_start3A_13 = arith.constant 0 : i32
    %dma_start3A_14 = tpu.memref_slice %arg4[%dma_start3A_13, %multiple_of3A] : memref<16x1000000xf32, #tpu.memory_space<hbm>> -> memref<16x128xf32, #tpu.memory_space<hbm>>
    %dma_start3A_15 = tpu.memref_slice %arg13[%dma_start3A_8] : memref<6x!tpu.dma_semaphore, #tpu.memory_space<semaphore_mem>> -> memref<1x!tpu.dma_semaphore, #tpu.memory_space<semaphore_mem>>
    %dma_start3A_16 = tpu.memref_squeeze %dma_start3A_15 : memref<1x!tpu.dma_semaphore, #tpu.memory_space<semaphore_mem>> -> memref<!tpu.dma_semaphore, #tpu.memory_space<semaphore_mem>>
    %dma_start3A_17 = arith.constant 0 : i32
    %dma_start3A_18 = arith.constant 0 : i32
    %dma_start3A_19 = tpu.memref_slice %arg9[%dma_start3A, %dma_start3A_7, %dma_start3A_17, %dma_start3A_18] : memref<6x4x16x128xf32, #tpu.memory_space<vmem>> -> memref<1x1x16x128xf32, #tpu.memory_space<vmem>>
    %dma_start3A_20 = tpu.memref_squeeze %dma_start3A_19 : memref<1x1x16x128xf32, #tpu.memory_space<vmem>> -> memref<16x128xf32, #tpu.memory_space<vmem>>
    %dma_start3A_21 = arith.constant 0 : i32
    %dma_start3A_22 = tpu.memref_slice %arg4[%dma_start3A_21, %multiple_of3A] : memref<16x1000000xf32, #tpu.memory_space<hbm>> -> memref<16x128xf32, #tpu.memory_space<hbm>>
    tpu.enqueue_dma source(%dma_start3A_22 : memref<16x128xf32, #tpu.memory_space<hbm>>) target(%dma_start3A_20 : memref<16x128xf32, #tpu.memory_space<vmem>>) target_semaphore(%dma_start3A_16 : memref<!tpu.dma_semaphore, #tpu.memory_space<semaphore_mem>>)
    %slice3A_23 = vector.extract_strided_slice %get3A_5 {offsets = [0], sizes = [1], strides = [1]} : vector<16xi32> to vector<1xi32>
    %squeeze3A_24 = vector.extract %slice3A_23[0] : i32 from vector<1xi32>
    %and3A_25 = arith.constant -128 : i32
    %and3A_26 = arith.andi %squeeze3A_24, %and3A_25 : i32
    %multiple_of3A_27 = tpu.assume_multiple %and3A_26, 128 : i32
    %dma_start3A_28 = arith.constant 0 : i32
    %dma_start3A_29 = arith.constant 0 : i32
    %dma_start3A_30 = arith.constant 0 : i32
    %dma_start3A_31 = arith.constant 0 : i32
    %dma_start3A_32 = arith.constant 0 : i32
    %dma_start3A_33 = tpu.memref_slice %arg10[%dma_start3A_28, %dma_start3A_29, %dma_start3A_31, %dma_start3A_32] : memref<6x4x16x128xf32, #tpu.memory_space<vmem>> -> memref<1x1x16x128xf32, #tpu.memory_space<vmem>>
    %dma_start3A_34 = tpu.memref_squeeze %dma_start3A_33 : memref<1x1x16x128xf32, #tpu.memory_space<vmem>> -> memref<16x128xf32, #tpu.memory_space<vmem>>
    %dma_start3A_35 = arith.constant 0 : i32
    %dma_start3A_36 = tpu.memref_slice %arg5[%dma_start3A_35, %multiple_of3A_27] : memref<16x1000000xf32, #tpu.memory_space<hbm>> -> memref<16x128xf32, #tpu.memory_space<hbm>>
    %dma_start3A_37 = tpu.memref_slice %arg14[%dma_start3A_30] : memref<6x!tpu.dma_semaphore, #tpu.memory_space<semaphore_mem>> -> memref<1x!tpu.dma_semaphore, #tpu.memory_space<semaphore_mem>>
    %dma_start3A_38 = tpu.memref_squeeze %dma_start3A_37 : memref<1x!tpu.dma_semaphore, #tpu.memory_space<semaphore_mem>> -> memref<!tpu.dma_semaphore, #tpu.memory_space<semaphore_mem>>
    %dma_start3A_39 = arith.constant 0 : i32
    %dma_start3A_40 = arith.constant 0 : i32
    %dma_start3A_41 = tpu.memref_slice %arg10[%dma_start3A_28, %dma_start3A_29, %dma_start3A_39, %dma_start3A_40] : memref<6x4x16x128xf32, #tpu.memory_space<vmem>> -> memref<1x1x16x128xf32, #tpu.memory_space<vmem>>
    %dma_start3A_42 = tpu.memref_squeeze %dma_start3A_41 : memref<1x1x16x128xf32, #tpu.memory_space<vmem>> -> memref<16x128xf32, #tpu.memory_space<vmem>>
    %dma_start3A_43 = arith.constant 0 : i32
    %dma_start3A_44 = tpu.memref_slice %arg5[%dma_start3A_43, %multiple_of3A_27] : memref<16x1000000xf32, #tpu.memory_space<hbm>> -> memref<16x128xf32, #tpu.memory_space<hbm>>
    tpu.enqueue_dma source(%dma_start3A_44 : memref<16x128xf32, #tpu.memory_space<hbm>>) target(%dma_start3A_42 : memref<16x128xf32, #tpu.memory_space<vmem>>) target_semaphore(%dma_start3A_38 : memref<!tpu.dma_semaphore, #tpu.memory_space<semaphore_mem>>)
    %slice3A_45 = vector.extract_strided_slice %get3A_3 {offsets = [1], sizes = [1], strides = [1]} : vector<16xi32> to vector<1xi32>
    %squeeze3A_46 = vector.extract %slice3A_45[0] : i32 from vector<1xi32>
    %and3A_47 = arith.constant -128 : i32
    %and3A_48 = arith.andi %squeeze3A_46, %and3A_47 : i32
    %multiple_of3A_49 = tpu.assume_multiple %and3A_48, 128 : i32
    %dma_start3A_50 = arith.constant 0 : i32
    %dma_start3A_51 = arith.constant 1 : i32
    %dma_start3A_52 = arith.constant 0 : i32
    %dma_start3A_53 = arith.constant 0 : i32
    %dma_start3A_54 = arith.constant 0 : i32
    %dma_start3A_55 = tpu.memref_slice %arg9[%dma_start3A_50, %dma_start3A_51, %dma_start3A_53, %dma_start3A_54] : memref<6x4x16x128xf32, #tpu.memory_space<vmem>> -> memref<1x1x16x128xf32, #tpu.memory_space<vmem>>
    %dma_start3A_56 = tpu.memref_squeeze %dma_start3A_55 : memref<1x1x16x128xf32, #tpu.memory_space<vmem>> -> memref<16x128xf32, #tpu.memory_space<vmem>>
    %dma_start3A_57 = arith.constant 0 : i32
    %dma_start3A_58 = tpu.memref_slice %arg4[%dma_start3A_57, %multiple_of3A_49] : memref<16x1000000xf32, #tpu.memory_space<hbm>> -> memref<16x128xf32, #tpu.memory_space<hbm>>
    %dma_start3A_59 = tpu.memref_slice %arg13[%dma_start3A_52] : memref<6x!tpu.dma_semaphore, #tpu.memory_space<semaphore_mem>> -> memref<1x!tpu.dma_semaphore, #tpu.memory_space<semaphore_mem>>
    %dma_start3A_60 = tpu.memref_squeeze %dma_start3A_59 : memref<1x!tpu.dma_semaphore, #tpu.memory_space<semaphore_mem>> -> memref<!tpu.dma_semaphore, #tpu.memory_space<semaphore_mem>>
    %dma_start3A_61 = arith.constant 0 : i32
    %dma_start3A_62 = arith.constant 0 : i32
    %dma_start3A_63 = tpu.memref_slice %arg9[%dma_start3A_50, %dma_start3A_51, %dma_start3A_61, %dma_start3A_62] : memref<6x4x16x128xf32, #tpu.memory_space<vmem>> -> memref<1x1x16x128xf32, #tpu.memory_space<vmem>>
    %dma_start3A_64 = tpu.memref_squeeze %dma_start3A_63 : memref<1x1x16x128xf32, #tpu.memory_space<vmem>> -> memref<16x128xf32, #tpu.memory_space<vmem>>
    %dma_start3A_65 = arith.constant 0 : i32
    %dma_start3A_66 = tpu.memref_slice %arg4[%dma_start3A_65, %multiple_of3A_49] : memref<16x1000000xf32, #tpu.memory_space<hbm>> -> memref<16x128xf32, #tpu.memory_space<hbm>>
    tpu.enqueue_dma source(%dma_start3A_66 : memref<16x128xf32, #tpu.memory_space<hbm>>) target(%dma_start3A_64 : memref<16x128xf32, #tpu.memory_space<vmem>>) target_semaphore(%dma_start3A_60 : memref<!tpu.dma_semaphore, #tpu.memory_space<semaphore_mem>>)
    %slice3A_67 = vector.extract_strided_slice %get3A_5 {offsets = [1], sizes = [1], strides = [1]} : vector<16xi32> to vector<1xi32>
    %squeeze3A_68 = vector.extract %slice3A_67[0] : i32 from vector<1xi32>
    %and3A_69 = arith.constant -128 : i32
    %and3A_70 = arith.andi %squeeze3A_68, %and3A_69 : i32
    %multiple_of3A_71 = tpu.assume_multiple %and3A_70, 128 : i32
    %dma_start3A_72 = arith.constant 0 : i32
    %dma_start3A_73 = arith.constant 1 : i32
    %dma_start3A_74 = arith.constant 0 : i32
    %dma_start3A_75 = arith.constant 0 : i32
    %dma_start3A_76 = arith.constant 0 : i32
    %dma_start3A_77 = tpu.memref_slice %arg10[%dma_start3A_72, %dma_start3A_73, %dma_start3A_75, %dma_start3A_76] : memref<6x4x16x128xf32, #tpu.memory_space<vmem>> -> memref<1x1x16x128xf32, #tpu.memory_space<vmem>>
    %dma_start3A_78 = tpu.memref_squeeze %dma_start3A_77 : memref<1x1x16x128xf32, #tpu.memory_space<vmem>> -> memref<16x128xf32, #tpu.memory_space<vmem>>
    %dma_start3A_79 = arith.constant 0 : i32
    %dma_start3A_80 = tpu.memref_slice %arg5[%dma_start3A_79, %multiple_of3A_71] : memref<16x1000000xf32, #tpu.memory_space<hbm>> -> memref<16x128xf32, #tpu.memory_space<hbm>>
    %dma_start3A_81 = tpu.memref_slice %arg14[%dma_start3A_74] : memref<6x!tpu.dma_semaphore, #tpu.memory_space<semaphore_mem>> -> memref<1x!tpu.dma_semaphore, #tpu.memory_space<semaphore_mem>>
    %dma_start3A_82 = tpu.memref_squeeze %dma_start3A_81 : memref<1x!tpu.dma_semaphore, #tpu.memory_space<semaphore_mem>> -> memref<!tpu.dma_semaphore, #tpu.memory_space<semaphore_mem>>
    %dma_start3A_83 = arith.constant 0 : i32
    %dma_start3A_84 = arith.constant 0 : i32
    %dma_start3A_85 = tpu.memref_slice %arg10[%dma_start3A_72, %dma_start3A_73, %dma_start3A_83, %dma_start3A_84] : memref<6x4x16x128xf32, #tpu.memory_space<vmem>> -> memref<1x1x16x128xf32, #tpu.memory_space<vmem>>
    %dma_start3A_86 = tpu.memref_squeeze %dma_start3A_85 : memref<1x1x16x128xf32, #tpu.memory_space<vmem>> -> memref<16x128xf32, #tpu.memory_space<vmem>>
    %dma_start3A_87 = arith.constant 0 : i32
    %dma_start3A_88 = tpu.memref_slice %arg5[%dma_start3A_87, %multiple_of3A_71] : memref<16x1000000xf32, #tpu.memory_space<hbm>> -> memref<16x128xf32, #tpu.memory_space<hbm>>
    tpu.enqueue_dma source(%dma_start3A_88 : memref<16x128xf32, #tpu.memory_space<hbm>>) target(%dma_start3A_86 : memref<16x128xf32, #tpu.memory_space<vmem>>) target_semaphore(%dma_start3A_82 : memref<!tpu.dma_semaphore, #tpu.memory_space<semaphore_mem>>)
    %slice3A_89 = vector.extract_strided_slice %get3A_3 {offsets = [2], sizes = [1], strides = [1]} : vector<16xi32> to vector<1xi32>
    %squeeze3A_90 = vector.extract %slice3A_89[0] : i32 from vector<1xi32>
    %and3A_91 = arith.constant -128 : i32
    %and3A_92 = arith.andi %squeeze3A_90, %and3A_91 : i32
    %multiple_of3A_93 = tpu.assume_multiple %and3A_92, 128 : i32
    %dma_start3A_94 = arith.constant 0 : i32
    %dma_start3A_95 = arith.constant 2 : i32
    %dma_start3A_96 = arith.constant 0 : i32
    %dma_start3A_97 = arith.constant 0 : i32
    %dma_start3A_98 = arith.constant 0 : i32
    %dma_start3A_99 = tpu.memref_slice %arg9[%dma_start3A_94, %dma_start3A_95, %dma_start3A_97, %dma_start3A_98] : memref<6x4x16x128xf32, #tpu.memory_space<vmem>> -> memref<1x1x16x128xf32, #tpu.memory_space<vmem>>
    %dma_start3A_100 = tpu.memref_squeeze %dma_start3A_99 : memref<1x1x16x128xf32, #tpu.memory_space<vmem>> -> memref<16x128xf32, #tpu.memory_space<vmem>>
    %dma_start3A_101 = arith.constant 0 : i32
    %dma_start3A_102 = tpu.memref_slice %arg4[%dma_start3A_101, %multiple_of3A_93] : memref<16x1000000xf32, #tpu.memory_space<hbm>> -> memref<16x128xf32, #tpu.memory_space<hbm>>
    %dma_start3A_103 = tpu.memref_slice %arg13[%dma_start3A_96] : memref<6x!tpu.dma_semaphore, #tpu.memory_space<semaphore_mem>> -> memref<1x!tpu.dma_semaphore, #tpu.memory_space<semaphore_mem>>
    %dma_start3A_104 = tpu.memref_squeeze %dma_start3A_103 : memref<1x!tpu.dma_semaphore, #tpu.memory_space<semaphore_mem>> -> memref<!tpu.dma_semaphore, #tpu.memory_space<semaphore_mem>>
    %dma_start3A_105 = arith.constant 0 : i32
    %dma_start3A_106 = arith.constant 0 : i32
    %dma_start3A_107 = tpu.memref_slice %arg9[%dma_start3A_94, %dma_start3A_95, %dma_start3A_105, %dma_start3A_106] : memref<6x4x16x128xf32, #tpu.memory_space<vmem>> -> memref<1x1x16x128xf32, #tpu.memory_space<vmem>>
    %dma_start3A_108 = tpu.memref_squeeze %dma_start3A_107 : memref<1x1x16x128xf32, #tpu.memory_space<vmem>> -> memref<16x128xf32, #tpu.memory_space<vmem>>
    %dma_start3A_109 = arith.constant 0 : i32
    %dma_start3A_110 = tpu.memref_slice %arg4[%dma_start3A_109, %multiple_of3A_93] : memref<16x1000000xf32, #tpu.memory_space<hbm>> -> memref<16x128xf32, #tpu.memory_space<hbm>>
    tpu.enqueue_dma source(%dma_start3A_110 : memref<16x128xf32, #tpu.memory_space<hbm>>) target(%dma_start3A_108 : memref<16x128xf32, #tpu.memory_space<vmem>>) target_semaphore(%dma_start3A_104 : memref<!tpu.dma_semaphore, #tpu.memory_space<semaphore_mem>>)
    %slice3A_111 = vector.extract_strided_slice %get3A_5 {offsets = [2], sizes = [1], strides = [1]} : vector<16xi32> to vector<1xi32>
    %squeeze3A_112 = vector.extract %slice3A_111[0] : i32 from vector<1xi32>
    %and3A_113 = arith.constant -128 : i32
    %and3A_114 = arith.andi %squeeze3A_112, %and3A_113 : i32
    %multiple_of3A_115 = tpu.assume_multiple %and3A_114, 128 : i32
    %dma_start3A_116 = arith.constant 0 : i32
    %dma_start3A_117 = arith.constant 2 : i32
    %dma_start3A_118 = arith.constant 0 : i32
    %dma_start3A_119 = arith.constant 0 : i32
    %dma_start3A_120 = arith.constant 0 : i32
    %dma_start3A_121 = tpu.memref_slice %arg10[%dma_start3A_116, %dma_start3A_117, %dma_start3A_119, %dma_start3A_120] : memref<6x4x16x128xf32, #tpu.memory_space<vmem>> -> memref<1x1x16x128xf32, #tpu.memory_space<vmem>>
    %dma_start3A_122 = tpu.memref_squeeze %dma_start3A_121 : memref<1x1x16x128xf32, #tpu.memory_space<vmem>> -> memref<16x128xf32, #tpu.memory_space<vmem>>
    %dma_start3A_123 = arith.constant 0 : i32
    %dma_start3A_124 = tpu.memref_slice %arg5[%dma_start3A_123, %multiple_of3A_115] : memref<16x1000000xf32, #tpu.memory_space<hbm>> -> memref<16x128xf32, #tpu.memory_space<hbm>>
    %dma_start3A_125 = tpu.memref_slice %arg14[%dma_start3A_118] : memref<6x!tpu.dma_semaphore, #tpu.memory_space<semaphore_mem>> -> memref<1x!tpu.dma_semaphore, #tpu.memory_space<semaphore_mem>>
    %dma_start3A_126 = tpu.memref_squeeze %dma_start3A_125 : memref<1x!tpu.dma_semaphore, #tpu.memory_space<semaphore_mem>> -> memref<!tpu.dma_semaphore, #tpu.memory_space<semaphore_mem>>
    %dma_start3A_127 = arith.constant 0 : i32
    %dma_start3A_128 = arith.constant 0 : i32
    %dma_start3A_129 = tpu.memref_slice %arg10[%dma_start3A_116, %dma_start3A_117, %dma_start3A_127, %dma_start3A_128] : memref<6x4x16x128xf32, #tpu.memory_space<vmem>> -> memref<1x1x16x128xf32, #tpu.memory_space<vmem>>
    %dma_start3A_130 = tpu.memref_squeeze %dma_start3A_129 : memref<1x1x16x128xf32, #tpu.memory_space<vmem>> -> memref<16x128xf32, #tpu.memory_space<vmem>>
    %dma_start3A_131 = arith.constant 0 : i32
    %dma_start3A_132 = tpu.memref_slice %arg5[%dma_start3A_131, %multiple_of3A_115] : memref<16x1000000xf32, #tpu.memory_space<hbm>> -> memref<16x128xf32, #tpu.memory_space<hbm>>
    tpu.enqueue_dma source(%dma_start3A_132 : memref<16x128xf32, #tpu.memory_space<hbm>>) target(%dma_start3A_130 : memref<16x128xf32, #tpu.memory_space<vmem>>) target_semaphore(%dma_start3A_126 : memref<!tpu.dma_semaphore, #tpu.memory_space<semaphore_mem>>)
    %slice3A_133 = vector.extract_strided_slice %get3A_3 {offsets = [3], sizes = [1], strides = [1]} : vector<16xi32> to vector<1xi32>
    %squeeze3A_134 = vector.extract %slice3A_133[0] : i32 from vector<1xi32>
    %and3A_135 = arith.constant -128 : i32
    %and3A_136 = arith.andi %squeeze3A_134, %and3A_135 : i32
    %multiple_of3A_137 = tpu.assume_multiple %and3A_136, 128 : i32
    %dma_start3A_138 = arith.constant 0 : i32
    %dma_start3A_139 = arith.constant 3 : i32
    %dma_start3A_140 = arith.constant 0 : i32
    %dma_start3A_141 = arith.constant 0 : i32
    %dma_start3A_142 = arith.constant 0 : i32
    %dma_start3A_143 = tpu.memref_slice %arg9[%dma_start3A_138, %dma_start3A_139, %dma_start3A_141, %dma_start3A_142] : memref<6x4x16x128xf32, #tpu.memory_space<vmem>> -> memref<1x1x16x128xf32, #tpu.memory_space<vmem>>
    %dma_start3A_144 = tpu.memref_squeeze %dma_start3A_143 : memref<1x1x16x128xf32, #tpu.memory_space<vmem>> -> memref<16x128xf32, #tpu.memory_space<vmem>>
    %dma_start3A_145 = arith.constant 0 : i32
    %dma_start3A_146 = tpu.memref_slice %arg4[%dma_start3A_145, %multiple_of3A_137] : memref<16x1000000xf32, #tpu.memory_space<hbm>> -> memref<16x128xf32, #tpu.memory_space<hbm>>
    %dma_start3A_147 = tpu.memref_slice %arg13[%dma_start3A_140] : memref<6x!tpu.dma_semaphore, #tpu.memory_space<semaphore_mem>> -> memref<1x!tpu.dma_semaphore, #tpu.memory_space<semaphore_mem>>
    %dma_start3A_148 = tpu.memref_squeeze %dma_start3A_147 : memref<1x!tpu.dma_semaphore, #tpu.memory_space<semaphore_mem>> -> memref<!tpu.dma_semaphore, #tpu.memory_space<semaphore_mem>>
    %dma_start3A_149 = arith.constant 0 : i32
    %dma_start3A_150 = arith.constant 0 : i32
    %dma_start3A_151 = tpu.memref_slice %arg9[%dma_start3A_138, %dma_start3A_139, %dma_start3A_149, %dma_start3A_150] : memref<6x4x16x128xf32, #tpu.memory_space<vmem>> -> memref<1x1x16x128xf32, #tpu.memory_space<vmem>>
    %dma_start3A_152 = tpu.memref_squeeze %dma_start3A_151 : memref<1x1x16x128xf32, #tpu.memory_space<vmem>> -> memref<16x128xf32, #tpu.memory_space<vmem>>
    %dma_start3A_153 = arith.constant 0 : i32
    %dma_start3A_154 = tpu.memref_slice %arg4[%dma_start3A_153, %multiple_of3A_137] : memref<16x1000000xf32, #tpu.memory_space<hbm>> -> memref<16x128xf32, #tpu.memory_space<hbm>>
    tpu.enqueue_dma source(%dma_start3A_154 : memref<16x128xf32, #tpu.memory_space<hbm>>) target(%dma_start3A_152 : memref<16x128xf32, #tpu.memory_space<vmem>>) target_semaphore(%dma_start3A_148 : memref<!tpu.dma_semaphore, #tpu.memory_space<semaphore_mem>>)
    %slice3A_155 = vector.extract_strided_slice %get3A_5 {offsets = [3], sizes = [1], strides = [1]} : vector<16xi32> to vector<1xi32>
    %squeeze3A_156 = vector.extract %slice3A_155[0] : i32 from vector<1xi32>
    %and3A_157 = arith.constant -128 : i32
    %and3A_158 = arith.andi %squeeze3A_156, %and3A_157 : i32
    %multiple_of3A_159 = tpu.assume_multiple %and3A_158, 128 : i32
    %dma_start3A_160 = arith.constant 0 : i32
    %dma_start3A_161 = arith.constant 3 : i32
    %dma_start3A_162 = arith.constant 0 : i32
    %dma_start3A_163 = arith.constant 0 : i32
    %dma_start3A_164 = arith.constant 0 : i32
    %dma_start3A_165 = tpu.memref_slice %arg10[%dma_start3A_160, %dma_start3A_161, %dma_start3A_163, %dma_start3A_164] : memref<6x4x16x128xf32, #tpu.memory_space<vmem>> -> memref<1x1x16x128xf32, #tpu.memory_space<vmem>>
    %dma_start3A_166 = tpu.memref_squeeze %dma_start3A_165 : memref<1x1x16x128xf32, #tpu.memory_space<vmem>> -> memref<16x128xf32, #tpu.memory_space<vmem>>
    %dma_start3A_167 = arith.constant 0 : i32
    %dma_start3A_168 = tpu.memref_slice %arg5[%dma_start3A_167, %multiple_of3A_159] : memref<16x1000000xf32, #tpu.memory_space<hbm>> -> memref<16x128xf32, #tpu.memory_space<hbm>>
    %dma_start3A_169 = tpu.memref_slice %arg14[%dma_start3A_162] : memref<6x!tpu.dma_semaphore, #tpu.memory_space<semaphore_mem>> -> memref<1x!tpu.dma_semaphore, #tpu.memory_space<semaphore_mem>>
    %dma_start3A_170 = tpu.memref_squeeze %dma_start3A_169 : memref<1x!tpu.dma_semaphore, #tpu.memory_space<semaphore_mem>> -> memref<!tpu.dma_semaphore, #tpu.memory_space<semaphore_mem>>
    %dma_start3A_171 = arith.constant 0 : i32
    %dma_start3A_172 = arith.constant 0 : i32
    %dma_start3A_173 = tpu.memref_slice %arg10[%dma_start3A_160, %dma_start3A_161, %dma_start3A_171, %dma_start3A_172] : memref<6x4x16x128xf32, #tpu.memory_space<vmem>> -> memref<1x1x16x128xf32, #tpu.memory_space<vmem>>
    %dma_start3A_174 = tpu.memref_squeeze %dma_start3A_173 : memref<1x1x16x128xf32, #tpu.memory_space<vmem>> -> memref<16x128xf32, #tpu.memory_space<vmem>>
    %dma_start3A_175 = arith.constant 0 : i32
    %dma_start3A_176 = tpu.memref_slice %arg5[%dma_start3A_175, %multiple_of3A_159] : memref<16x1000000xf32, #tpu.memory_space<hbm>> -> memref<16x128xf32, #tpu.memory_space<hbm>>
    tpu.enqueue_dma source(%dma_start3A_176 : memref<16x128xf32, #tpu.memory_space<hbm>>) target(%dma_start3A_174 : memref<16x128xf32, #tpu.memory_space<vmem>>) target_semaphore(%dma_start3A_170 : memref<!tpu.dma_semaphore, #tpu.memory_space<semaphore_mem>>)
    %get3A_177 = arith.constant 4 : index
    %get3A_178 = tpu.vector_load %arg7[%get3A_177] {strides = array<i32>} : memref<528xi32, #tpu.memory_space<vmem>>, vector<16xi32>,
    %get3A_179 = arith.constant 4 : index
    %get3A_180 = tpu.vector_load %arg8[%get3A_179] {strides = array<i32>} : memref<528xi32, #tpu.memory_space<vmem>>, vector<16xi32>,
    %slice3A_181 = vector.extract_strided_slice %get3A_178 {offsets = [0], sizes = [1], strides = [1]} : vector<16xi32> to vector<1xi32>
    %squeeze3A_182 = vector.extract %slice3A_181[0] : i32 from vector<1xi32>
    %and3A_183 = arith.constant -128 : i32
    %and3A_184 = arith.andi %squeeze3A_182, %and3A_183 : i32
    %multiple_of3A_185 = tpu.assume_multiple %and3A_184, 128 : i32
    %dma_start3A_186 = arith.constant 1 : i32
    %dma_start3A_187 = arith.constant 0 : i32
    %dma_start3A_188 = arith.constant 1 : i32
    %dma_start3A_189 = arith.constant 0 : i32
    %dma_start3A_190 = arith.constant 0 : i32
    %dma_start3A_191 = tpu.memref_slice %arg9[%dma_start3A_186, %dma_start3A_187, %dma_start3A_189, %dma_start3A_190] : memref<6x4x16x128xf32, #tpu.memory_space<vmem>> -> memref<1x1x16x128xf32, #tpu.memory_space<vmem>>
    %dma_start3A_192 = tpu.memref_squeeze %dma_start3A_191 : memref<1x1x16x128xf32, #tpu.memory_space<vmem>> -> memref<16x128xf32, #tpu.memory_space<vmem>>
    %dma_start3A_193 = arith.constant 0 : i32
    %dma_start3A_194 = tpu.memref_slice %arg4[%dma_start3A_193, %multiple_of3A_185] : memref<16x1000000xf32, #tpu.memory_space<hbm>> -> memref<16x128xf32, #tpu.memory_space<hbm>>
    %dma_start3A_195 = tpu.memref_slice %arg13[%dma_start3A_188] : memref<6x!tpu.dma_semaphore, #tpu.memory_space<semaphore_mem>> -> memref<1x!tpu.dma_semaphore, #tpu.memory_space<semaphore_mem>>
    %dma_start3A_196 = tpu.memref_squeeze %dma_start3A_195 : memref<1x!tpu.dma_semaphore, #tpu.memory_space<semaphore_mem>> -> memref<!tpu.dma_semaphore, #tpu.memory_space<semaphore_mem>>
    %dma_start3A_197 = arith.constant 0 : i32
    %dma_start3A_198 = arith.constant 0 : i32
    %dma_start3A_199 = tpu.memref_slice %arg9[%dma_start3A_186, %dma_start3A_187, %dma_start3A_197, %dma_start3A_198] : memref<6x4x16x128xf32, #tpu.memory_space<vmem>> -> memref<1x1x16x128xf32, #tpu.memory_space<vmem>>
    %dma_start3A_200 = tpu.memref_squeeze %dma_start3A_199 : memref<1x1x16x128xf32, #tpu.memory_space<vmem>> -> memref<16x128xf32, #tpu.memory_space<vmem>>
    %dma_start3A_201 = arith.constant 0 : i32
    %dma_start3A_202 = tpu.memref_slice %arg4[%dma_start3A_201, %multiple_of3A_185] : memref<16x1000000xf32, #tpu.memory_space<hbm>> -> memref<16x128xf32, #tpu.memory_space<hbm>>
    tpu.enqueue_dma source(%dma_start3A_202 : memref<16x128xf32, #tpu.memory_space<hbm>>) target(%dma_start3A_200 : memref<16x128xf32, #tpu.memory_space<vmem>>) target_semaphore(%dma_start3A_196 : memref<!tpu.dma_semaphore, #tpu.memory_space<semaphore_mem>>)
    %slice3A_203 = vector.extract_strided_slice %get3A_180 {offsets = [0], sizes = [1], strides = [1]} : vector<16xi32> to vector<1xi32>
    %squeeze3A_204 = vector.extract %slice3A_203[0] : i32 from vector<1xi32>
    %and3A_205 = arith.constant -128 : i32
    %and3A_206 = arith.andi %squeeze3A_204, %and3A_205 : i32
    %multiple_of3A_207 = tpu.assume_multiple %and3A_206, 128 : i32
    %dma_start3A_208 = arith.constant 1 : i32
    %dma_start3A_209 = arith.constant 0 : i32
    %dma_start3A_210 = arith.constant 1 : i32
    %dma_start3A_211 = arith.constant 0 : i32
    %dma_start3A_212 = arith.constant 0 : i32
    %dma_start3A_213 = tpu.memref_slice %arg10[%dma_start3A_208, %dma_start3A_209, %dma_start3A_211, %dma_start3A_212] : memref<6x4x16x128xf32, #tpu.memory_space<vmem>> -> memref<1x1x16x128xf32, #tpu.memory_space<vmem>>
    %dma_start3A_214 = tpu.memref_squeeze %dma_start3A_213 : memref<1x1x16x128xf32, #tpu.memory_space<vmem>> -> memref<16x128xf32, #tpu.memory_space<vmem>>
    %dma_start3A_215 = arith.constant 0 : i32
    %dma_start3A_216 = tpu.memref_slice %arg5[%dma_start3A_215, %multiple_of3A_207] : memref<16x1000000xf32, #tpu.memory_space<hbm>> -> memref<16x128xf32, #tpu.memory_space<hbm>>
    %dma_start3A_217 = tpu.memref_slice %arg14[%dma_start3A_210] : memref<6x!tpu.dma_semaphore, #tpu.memory_space<semaphore_mem>> -> memref<1x!tpu.dma_semaphore, #tpu.memory_space<semaphore_mem>>
    %dma_start3A_218 = tpu.memref_squeeze %dma_start3A_217 : memref<1x!tpu.dma_semaphore, #tpu.memory_space<semaphore_mem>> -> memref<!tpu.dma_semaphore, #tpu.memory_space<semaphore_mem>>
    %dma_start3A_219 = arith.constant 0 : i32
    %dma_start3A_220 = arith.constant 0 : i32
    %dma_start3A_221 = tpu.memref_slice %arg10[%dma_start3A_208, %dma_start3A_209, %dma_start3A_219, %dma_start3A_220] : memref<6x4x16x128xf32, #tpu.memory_space<vmem>> -> memref<1x1x16x128xf32, #tpu.memory_space<vmem>>
    %dma_start3A_222 = tpu.memref_squeeze %dma_start3A_221 : memref<1x1x16x128xf32, #tpu.memory_space<vmem>> -> memref<16x128xf32, #tpu.memory_space<vmem>>
    %dma_start3A_223 = arith.constant 0 : i32
    %dma_start3A_224 = tpu.memref_slice %arg5[%dma_start3A_223, %multiple_of3A_207] : memref<16x1000000xf32, #tpu.memory_space<hbm>> -> memref<16x128xf32, #tpu.memory_space<hbm>>
    tpu.enqueue_dma source(%dma_start3A_224 : memref<16x128xf32, #tpu.memory_space<hbm>>) target(%dma_start3A_222 : memref<16x128xf32, #tpu.memory_space<vmem>>) target_semaphore(%dma_start3A_218 : memref<!tpu.dma_semaphore, #tpu.memory_space<semaphore_mem>>)
    %slice3A_225 = vector.extract_strided_slice %get3A_178 {offsets = [1], sizes = [1], strides = [1]} : vector<16xi32> to vector<1xi32>
    %squeeze3A_226 = vector.extract %slice3A_225[0] : i32 from vector<1xi32>
    %and3A_227 = arith.constant -128 : i32
    %and3A_228 = arith.andi %squeeze3A_226, %and3A_227 : i32
    %multiple_of3A_229 = tpu.assume_multiple %and3A_228, 128 : i32
    %dma_start3A_230 = arith.constant 1 : i32
    %dma_start3A_231 = arith.constant 1 : i32
    %dma_start3A_232 = arith.constant 1 : i32
    %dma_start3A_233 = arith.constant 0 : i32
    %dma_start3A_234 = arith.constant 0 : i32
    %dma_start3A_235 = tpu.memref_slice %arg9[%dma_start3A_230, %dma_start3A_231, %dma_start3A_233, %dma_start3A_234] : memref<6x4x16x128xf32, #tpu.memory_space<vmem>> -> memref<1x1x16x128xf32, #tpu.memory_space<vmem>>
    %dma_start3A_236 = tpu.memref_squeeze %dma_start3A_235 : memref<1x1x16x128xf32, #tpu.memory_space<vmem>> -> memref<16x128xf32, #tpu.memory_space<vmem>>
    %dma_start3A_237 = arith.constant 0 : i32
    %dma_start3A_238 = tpu.memref_slice %arg4[%dma_start3A_237, %multiple_of3A_229] : memref<16x1000000xf32, #tpu.memory_space<hbm>> -> memref<16x128xf32, #tpu.memory_space<hbm>>
    %dma_start3A_239 = tpu.memref_slice %arg13[%dma_start3A_232] : memref<6x!tpu.dma_semaphore, #tpu.memory_space<semaphore_mem>> -> memref<1x!tpu.dma_semaphore, #tpu.memory_space<semaphore_mem>>
    %dma_start3A_240 = tpu.memref_squeeze %dma_start3A_239 : memref<1x!tpu.dma_semaphore, #tpu.memory_space<semaphore_mem>> -> memref<!tpu.dma_semaphore, #tpu.memory_space<semaphore_mem>>
    %dma_start3A_241 = arith.constant 0 : i32
    %dma_start3A_242 = arith.constant 0 : i32
    %dma_start3A_243 = tpu.memref_slice %arg9[%dma_start3A_230, %dma_start3A_231, %dma_start3A_241, %dma_start3A_242] : memref<6x4x16x128xf32, #tpu.memory_space<vmem>> -> memref<1x1x16x128xf32, #tpu.memory_space<vmem>>
    %dma_start3A_244 = tpu.memref_squeeze %dma_start3A_243 : memref<1x1x16x128xf32, #tpu.memory_space<vmem>> -> memref<16x128xf32, #tpu.memory_space<vmem>>
    %dma_start3A_245 = arith.constant 0 : i32
    %dma_start3A_246 = tpu.memref_slice %arg4[%dma_start3A_245, %multiple_of3A_229] : memref<16x1000000xf32, #tpu.memory_space<hbm>> -> memref<16x128xf32, #tpu.memory_space<hbm>>
    tpu.enqueue_dma source(%dma_start3A_246 : memref<16x128xf32, #tpu.memory_space<hbm>>) target(%dma_start3A_244 : memref<16x128xf32, #tpu.memory_space<vmem>>) target_semaphore(%dma_start3A_240 : memref<!tpu.dma_semaphore, #tpu.memory_space<semaphore_mem>>)
    %slice3A_247 = vector.extract_strided_slice %get3A_180 {offsets = [1], sizes = [1], strides = [1]} : vector<16xi32> to vector<1xi32>
    %squeeze3A_248 = vector.extract %slice3A_247[0] : i32 from vector<1xi32>
    %and3A_249 = arith.constant -128 : i32
    %and3A_250 = arith.andi %squeeze3A_248, %and3A_249 : i32
    %multiple_of3A_251 = tpu.assume_multiple %and3A_250, 128 : i32
    %dma_start3A_252 = arith.constant 1 : i32
    %dma_start3A_253 = arith.constant 1 : i32
    %dma_start3A_254 = arith.constant 1 : i32
    %dma_start3A_255 = arith.constant 0 : i32
    %dma_start3A_256 = arith.constant 0 : i32
    %dma_start3A_257 = tpu.memref_slice %arg10[%dma_start3A_252, %dma_start3A_253, %dma_start3A_255, %dma_start3A_256] : memref<6x4x16x128xf32, #tpu.memory_space<vmem>> -> memref<1x1x16x128xf32, #tpu.memory_space<vmem>>
    %dma_start3A_258 = tpu.memref_squeeze %dma_start3A_257 : memref<1x1x16x128xf32, #tpu.memory_space<vmem>> -> memref<16x128xf32, #tpu.memory_space<vmem>>
    %dma_start3A_259 = arith.constant 0 : i32
    %dma_start3A_260 = tpu.memref_slice %arg5[%dma_start3A_259, %multiple_of3A_251] : memref<16x1000000xf32, #tpu.memory_space<hbm>> -> memref<16x128xf32, #tpu.memory_space<hbm>>
    %dma_start3A_261 = tpu.memref_slice %arg14[%dma_start3A_254] : memref<6x!tpu.dma_semaphore, #tpu.memory_space<semaphore_mem>> -> memref<1x!tpu.dma_semaphore, #tpu.memory_space<semaphore_mem>>
    %dma_start3A_262 = tpu.memref_squeeze %dma_start3A_261 : memref<1x!tpu.dma_semaphore, #tpu.memory_space<semaphore_mem>> -> memref<!tpu.dma_semaphore, #tpu.memory_space<semaphore_mem>>
    %dma_start3A_263 = arith.constant 0 : i32
    %dma_start3A_264 = arith.constant 0 : i32
    %dma_start3A_265 = tpu.memref_slice %arg10[%dma_start3A_252, %dma_start3A_253, %dma_start3A_263, %dma_start3A_264] : memref<6x4x16x128xf32, #tpu.memory_space<vmem>> -> memref<1x1x16x128xf32, #tpu.memory_space<vmem>>
    %dma_start3A_266 = tpu.memref_squeeze %dma_start3A_265 : memref<1x1x16x128xf32, #tpu.memory_space<vmem>> -> memref<16x128xf32, #tpu.memory_space<vmem>>
    %dma_start3A_267 = arith.constant 0 : i32
    %dma_start3A_268 = tpu.memref_slice %arg5[%dma_start3A_267, %multiple_of3A_251] : memref<16x1000000xf32, #tpu.memory_space<hbm>> -> memref<16x128xf32, #tpu.memory_space<hbm>>
    tpu.enqueue_dma source(%dma_start3A_268 : memref<16x128xf32, #tpu.memory_space<hbm>>) target(%dma_start3A_266 : memref<16x128xf32, #tpu.memory_space<vmem>>) target_semaphore(%dma_start3A_262 : memref<!tpu.dma_semaphore, #tpu.memory_space<semaphore_mem>>)
    %slice3A_269 = vector.extract_strided_slice %get3A_178 {offsets = [2], sizes = [1], strides = [1]} : vector<16xi32> to vector<1xi32>
    %squeeze3A_270 = vector.extract %slice3A_269[0] : i32 from vector<1xi32>
    %and3A_271 = arith.constant -128 : i32
    %and3A_272 = arith.andi %squeeze3A_270, %and3A_271 : i32
    %multiple_of3A_273 = tpu.assume_multiple %and3A_272, 128 : i32
    %dma_start3A_274 = arith.constant 1 : i32
    %dma_start3A_275 = arith.constant 2 : i32
    %dma_start3A_276 = arith.constant 1 : i32
    %dma_start3A_277 = arith.constant 0 : i32
    %dma_start3A_278 = arith.constant 0 : i32
    %dma_start3A_279 = tpu.memref_slice %arg9[%dma_start3A_274, %dma_start3A_275, %dma_start3A_277, %dma_start3A_278] : memref<6x4x16x128xf32, #tpu.memory_space<vmem>> -> memref<1x1x16x128xf32, #tpu.memory_space<vmem>>
    %dma_start3A_280 = tpu.memref_squeeze %dma_start3A_279 : memref<1x1x16x128xf32, #tpu.memory_space<vmem>> -> memref<16x128xf32, #tpu.memory_space<vmem>>
    %dma_start3A_281 = arith.constant 0 : i32
    %dma_start3A_282 = tpu.memref_slice %arg4[%dma_start3A_281, %multiple_of3A_273] : memref<16x1000000xf32, #tpu.memory_space<hbm>> -> memref<16x128xf32, #tpu.memory_space<hbm>>
    %dma_start3A_283 = tpu.memref_slice %arg13[%dma_start3A_276] : memref<6x!tpu.dma_semaphore, #tpu.memory_space<semaphore_mem>> -> memref<1x!tpu.dma_semaphore, #tpu.memory_space<semaphore_mem>>
    %dma_start3A_284 = tpu.memref_squeeze %dma_start3A_283 : memref<1x!tpu.dma_semaphore, #tpu.memory_space<semaphore_mem>> -> memref<!tpu.dma_semaphore, #tpu.memory_space<semaphore_mem>>
    %dma_start3A_285 = arith.constant 0 : i32
    %dma_start3A_286 = arith.constant 0 : i32
    %dma_start3A_287 = tpu.memref_slice %arg9[%dma_start3A_274, %dma_start3A_275, %dma_start3A_285, %dma_start3A_286] : memref<6x4x16x128xf32, #tpu.memory_space<vmem>> -> memref<1x1x16x128xf32, #tpu.memory_space<vmem>>
    %dma_start3A_288 = tpu.memref_squeeze %dma_start3A_287 : memref<1x1x16x128xf32, #tpu.memory_space<vmem>> -> memref<16x128xf32, #tpu.memory_space<vmem>>
    %dma_start3A_289 = arith.constant 0 : i32
    %dma_start3A_290 = tpu.memref_slice %arg4[%dma_start3A_289, %multiple_of3A_273] : memref<16x1000000xf32, #tpu.memory_space<hbm>> -> memref<16x128xf32, #tpu.memory_space<hbm>>
    tpu.enqueue_dma source(%dma_start3A_290 : memref<16x128xf32, #tpu.memory_space<hbm>>) target(%dma_start3A_288 : memref<16x128xf32, #tpu.memory_space<vmem>>) target_semaphore(%dma_start3A_284 : memref<!tpu.dma_semaphore, #tpu.memory_space<semaphore_mem>>)
    %slice3A_291 = vector.extract_strided_slice %get3A_180 {offsets = [2], sizes = [1], strides = [1]} : vector<16xi32> to vector<1xi32>
    %squeeze3A_292 = vector.extract %slice3A_291[0] : i32 from vector<1xi32>
    %and3A_293 = arith.constant -128 : i32
    %and3A_294 = arith.andi %squeeze3A_292, %and3A_293 : i32
    %multiple_of3A_295 = tpu.assume_multiple %and3A_294, 128 : i32
    %dma_start3A_296 = arith.constant 1 : i32
    %dma_start3A_297 = arith.constant 2 : i32
    %dma_start3A_298 = arith.constant 1 : i32
    %dma_start3A_299 = arith.constant 0 : i32
    %dma_start3A_300 = arith.constant 0 : i32
    %dma_start3A_301 = tpu.memref_slice %arg10[%dma_start3A_296, %dma_start3A_297, %dma_start3A_299, %dma_start3A_300] : memref<6x4x16x128xf32, #tpu.memory_space<vmem>> -> memref<1x1x16x128xf32, #tpu.memory_space<vmem>>
    %dma_start3A_302 = tpu.memref_squeeze %dma_start3A_301 : memref<1x1x16x128xf32, #tpu.memory_space<vmem>> -> memref<16x128xf32, #tpu.memory_space<vmem>>
    %dma_start3A_303 = arith.constant 0 : i32
    %dma_start3A_304 = tpu.memref_slice %arg5[%dma_start3A_303, %multiple_of3A_295] : memref<16x1000000xf32, #tpu.memory_space<hbm>> -> memref<16x128xf32, #tpu.memory_space<hbm>>
    %dma_start3A_305 = tpu.memref_slice %arg14[%dma_start3A_298] : memref<6x!tpu.dma_semaphore, #tpu.memory_space<semaphore_mem>> -> memref<1x!tpu.dma_semaphore, #tpu.memory_space<semaphore_mem>>
    %dma_start3A_306 = tpu.memref_squeeze %dma_start3A_305 : memref<1x!tpu.dma_semaphore, #tpu.memory_space<semaphore_mem>> -> memref<!tpu.dma_semaphore, #tpu.memory_space<semaphore_mem>>
    %dma_start3A_307 = arith.constant 0 : i32
    %dma_start3A_308 = arith.constant 0 : i32
    %dma_start3A_309 = tpu.memref_slice %arg10[%dma_start3A_296, %dma_start3A_297, %dma_start3A_307, %dma_start3A_308] : memref<6x4x16x128xf32, #tpu.memory_space<vmem>> -> memref<1x1x16x128xf32, #tpu.memory_space<vmem>>
    %dma_start3A_310 = tpu.memref_squeeze %dma_start3A_309 : memref<1x1x16x128xf32, #tpu.memory_space<vmem>> -> memref<16x128xf32, #tpu.memory_space<vmem>>
    %dma_start3A_311 = arith.constant 0 : i32
    %dma_start3A_312 = tpu.memref_slice %arg5[%dma_start3A_311, %multiple_of3A_295] : memref<16x1000000xf32, #tpu.memory_space<hbm>> -> memref<16x128xf32, #tpu.memory_space<hbm>>
    tpu.enqueue_dma source(%dma_start3A_312 : memref<16x128xf32, #tpu.memory_space<hbm>>) target(%dma_start3A_310 : memref<16x128xf32, #tpu.memory_space<vmem>>) target_semaphore(%dma_start3A_306 : memref<!tpu.dma_semaphore, #tpu.memory_space<semaphore_mem>>)
    %slice3A_313 = vector.extract_strided_slice %get3A_178 {offsets = [3], sizes = [1], strides = [1]} : vector<16xi32> to vector<1xi32>
    %squeeze3A_314 = vector.extract %slice3A_313[0] : i32 from vector<1xi32>
    %and3A_315 = arith.constant -128 : i32
    %and3A_316 = arith.andi %squeeze3A_314, %and3A_315 : i32
    %multiple_of3A_317 = tpu.assume_multiple %and3A_316, 128 : i32
    %dma_start3A_318 = arith.constant 1 : i32
    %dma_start3A_319 = arith.constant 3 : i32
    %dma_start3A_320 = arith.constant 1 : i32
    %dma_start3A_321 = arith.constant 0 : i32
    %dma_start3A_322 = arith.constant 0 : i32
    %dma_start3A_323 = tpu.memref_slice %arg9[%dma_start3A_318, %dma_start3A_319, %dma_start3A_321, %dma_start3A_322] : memref<6x4x16x128xf32, #tpu.memory_space<vmem>> -> memref<1x1x16x128xf32, #tpu.memory_space<vmem>>
    %dma_start3A_324 = tpu.memref_squeeze %dma_start3A_323 : memref<1x1x16x128xf32, #tpu.memory_space<vmem>> -> memref<16x128xf32, #tpu.memory_space<vmem>>
    %dma_start3A_325 = arith.constant 0 : i32
    %dma_start3A_326 = tpu.memref_slice %arg4[%dma_start3A_325, %multiple_of3A_317] : memref<16x1000000xf32, #tpu.memory_space<hbm>> -> memref<16x128xf32, #tpu.memory_space<hbm>>
    %dma_start3A_327 = tpu.memref_slice %arg13[%dma_start3A_320] : memref<6x!tpu.dma_semaphore, #tpu.memory_space<semaphore_mem>> -> memref<1x!tpu.dma_semaphore, #tpu.memory_space<semaphore_mem>>
    %dma_start3A_328 = tpu.memref_squeeze %dma_start3A_327 : memref<1x!tpu.dma_semaphore, #tpu.memory_space<semaphore_mem>> -> memref<!tpu.dma_semaphore, #tpu.memory_space<semaphore_mem>>
    %dma_start3A_329 = arith.constant 0 : i32
    %dma_start3A_330 = arith.constant 0 : i32
    %dma_start3A_331 = tpu.memref_slice %arg9[%dma_start3A_318, %dma_start3A_319, %dma_start3A_329, %dma_start3A_330] : memref<6x4x16x128xf32, #tpu.memory_space<vmem>> -> memref<1x1x16x128xf32, #tpu.memory_space<vmem>>
    %dma_start3A_332 = tpu.memref_squeeze %dma_start3A_331 : memref<1x1x16x128xf32, #tpu.memory_space<vmem>> -> memref<16x128xf32, #tpu.memory_space<vmem>>
    %dma_start3A_333 = arith.constant 0 : i32
    %dma_start3A_334 = tpu.memref_slice %arg4[%dma_start3A_333, %multiple_of3A_317] : memref<16x1000000xf32, #tpu.memory_space<hbm>> -> memref<16x128xf32, #tpu.memory_space<hbm>>
    tpu.enqueue_dma source(%dma_start3A_334 : memref<16x128xf32, #tpu.memory_space<hbm>>) target(%dma_start3A_332 : memref<16x128xf32, #tpu.memory_space<vmem>>) target_semaphore(%dma_start3A_328 : memref<!tpu.dma_semaphore, #tpu.memory_space<semaphore_mem>>)
    %slice3A_335 = vector.extract_strided_slice %get3A_180 {offsets = [3], sizes = [1], strides = [1]} : vector<16xi32> to vector<1xi32>
    %squeeze3A_336 = vector.extract %slice3A_335[0] : i32 from vector<1xi32>
    %and3A_337 = arith.constant -128 : i32
    %and3A_338 = arith.andi %squeeze3A_336, %and3A_337 : i32
    %multiple_of3A_339 = tpu.assume_multiple %and3A_338, 128 : i32
    %dma_start3A_340 = arith.constant 1 : i32
    %dma_start3A_341 = arith.constant 3 : i32
    %dma_start3A_342 = arith.constant 1 : i32
    %dma_start3A_343 = arith.constant 0 : i32
    %dma_start3A_344 = arith.constant 0 : i32
    %dma_start3A_345 = tpu.memref_slice %arg10[%dma_start3A_340, %dma_start3A_341, %dma_start3A_343, %dma_start3A_344] : memref<6x4x16x128xf32, #tpu.memory_space<vmem>> -> memref<1x1x16x128xf32, #tpu.memory_space<vmem>>
    %dma_start3A_346 = tpu.memref_squeeze %dma_start3A_345 : memref<1x1x16x128xf32, #tpu.memory_space<vmem>> -> memref<16x128xf32, #tpu.memory_space<vmem>>
    %dma_start3A_347 = arith.constant 0 : i32
    %dma_start3A_348 = tpu.memref_slice %arg5[%dma_start3A_347, %multiple_of3A_339] : memref<16x1000000xf32, #tpu.memory_space<hbm>> -> memref<16x128xf32, #tpu.memory_space<hbm>>
    %dma_start3A_349 = tpu.memref_slice %arg14[%dma_start3A_342] : memref<6x!tpu.dma_semaphore, #tpu.memory_space<semaphore_mem>> -> memref<1x!tpu.dma_semaphore, #tpu.memory_space<semaphore_mem>>
    %dma_start3A_350 = tpu.memref_squeeze %dma_start3A_349 : memref<1x!tpu.dma_semaphore, #tpu.memory_space<semaphore_mem>> -> memref<!tpu.dma_semaphore, #tpu.memory_space<semaphore_mem>>
    %dma_start3A_351 = arith.constant 0 : i32
    %dma_start3A_352 = arith.constant 0 : i32
    %dma_start3A_353 = tpu.memref_slice %arg10[%dma_start3A_340, %dma_start3A_341, %dma_start3A_351, %dma_start3A_352] : memref<6x4x16x128xf32, #tpu.memory_space<vmem>> -> memref<1x1x16x128xf32, #tpu.memory_space<vmem>>
    %dma_start3A_354 = tpu.memref_squeeze %dma_start3A_353 : memref<1x1x16x128xf32, #tpu.memory_space<vmem>> -> memref<16x128xf32, #tpu.memory_space<vmem>>
    %dma_start3A_355 = arith.constant 0 : i32
    %dma_start3A_356 = tpu.memref_slice %arg5[%dma_start3A_355, %multiple_of3A_339] : memref<16x1000000xf32, #tpu.memory_space<hbm>> -> memref<16x128xf32, #tpu.memory_space<hbm>>
    tpu.enqueue_dma source(%dma_start3A_356 : memref<16x128xf32, #tpu.memory_space<hbm>>) target(%dma_start3A_354 : memref<16x128xf32, #tpu.memory_space<vmem>>) target_semaphore(%dma_start3A_350 : memref<!tpu.dma_semaphore, #tpu.memory_space<semaphore_mem>>)
    %get3A_357 = arith.constant 8 : index
    %get3A_358 = tpu.vector_load %arg7[%get3A_357] {strides = array<i32>} : memref<528xi32, #tpu.memory_space<vmem>>, vector<16xi32>,
    %get3A_359 = arith.constant 8 : index
    %get3A_360 = tpu.vector_load %arg8[%get3A_359] {strides = array<i32>} : memref<528xi32, #tpu.memory_space<vmem>>, vector<16xi32>,
    %slice3A_361 = vector.extract_strided_slice %get3A_358 {offsets = [0], sizes = [1], strides = [1]} : vector<16xi32> to vector<1xi32>
    %squeeze3A_362 = vector.extract %slice3A_361[0] : i32 from vector<1xi32>
    %and3A_363 = arith.constant -128 : i32
    %and3A_364 = arith.andi %squeeze3A_362, %and3A_363 : i32
    %multiple_of3A_365 = tpu.assume_multiple %and3A_364, 128 : i32
    %dma_start3A_366 = arith.constant 2 : i32
    %dma_start3A_367 = arith.constant 0 : i32
    %dma_start3A_368 = arith.constant 2 : i32
    %dma_start3A_369 = arith.constant 0 : i32
    %dma_start3A_370 = arith.constant 0 : i32
    %dma_start3A_371 = tpu.memref_slice %arg9[%dma_start3A_366, %dma_start3A_367, %dma_start3A_369, %dma_start3A_370] : memref<6x4x16x128xf32, #tpu.memory_space<vmem>> -> memref<1x1x16x128xf32, #tpu.memory_space<vmem>>
    %dma_start3A_372 = tpu.memref_squeeze %dma_start3A_371 : memref<1x1x16x128xf32, #tpu.memory_space<vmem>> -> memref<16x128xf32, #tpu.memory_space<vmem>>
    %dma_start3A_373 = arith.constant 0 : i32
    %dma_start3A_374 = tpu.memref_slice %arg4[%dma_start3A_373, %multiple_of3A_365] : memref<16x1000000xf32, #tpu.memory_space<hbm>> -> memref<16x128xf32, #tpu.memory_space<hbm>>
    %dma_start3A_375 = tpu.memref_slice %arg13[%dma_start3A_368] : memref<6x!tpu.dma_semaphore, #tpu.memory_space<semaphore_mem>> -> memref<1x!tpu.dma_semaphore, #tpu.memory_space<semaphore_mem>>
    %dma_start3A_376 = tpu.memref_squeeze %dma_start3A_375 : memref<1x!tpu.dma_semaphore, #tpu.memory_space<semaphore_mem>> -> memref<!tpu.dma_semaphore, #tpu.memory_space<semaphore_mem>>
    %dma_start3A_377 = arith.constant 0 : i32
    %dma_start3A_378 = arith.constant 0 : i32
    %dma_start3A_379 = tpu.memref_slice %arg9[%dma_start3A_366, %dma_start3A_367, %dma_start3A_377, %dma_start3A_378] : memref<6x4x16x128xf32, #tpu.memory_space<vmem>> -> memref<1x1x16x128xf32, #tpu.memory_space<vmem>>
    %dma_start3A_380 = tpu.memref_squeeze %dma_start3A_379 : memref<1x1x16x128xf32, #tpu.memory_space<vmem>> -> memref<16x128xf32, #tpu.memory_space<vmem>>
    %dma_start3A_381 = arith.constant 0 : i32
    %dma_start3A_382 = tpu.memref_slice %arg4[%dma_start3A_381, %multiple_of3A_365] : memref<16x1000000xf32, #tpu.memory_space<hbm>> -> memref<16x128xf32, #tpu.memory_space<hbm>>
    tpu.enqueue_dma source(%dma_start3A_382 : memref<16x128xf32, #tpu.memory_space<hbm>>) target(%dma_start3A_380 : memref<16x128xf32, #tpu.memory_space<vmem>>) target_semaphore(%dma_start3A_376 : memref<!tpu.dma_semaphore, #tpu.memory_space<semaphore_mem>>)
    %slice3A_383 = vector.extract_strided_slice %get3A_360 {offsets = [0], sizes = [1], strides = [1]} : vector<16xi32> to vector<1xi32>
    %squeeze3A_384 = vector.extract %slice3A_383[0] : i32 from vector<1xi32>
    %and3A_385 = arith.constant -128 : i32
    %and3A_386 = arith.andi %squeeze3A_384, %and3A_385 : i32
    %multiple_of3A_387 = tpu.assume_multiple %and3A_386, 128 : i32
    %dma_start3A_388 = arith.constant 2 : i32
    %dma_start3A_389 = arith.constant 0 : i32
    %dma_start3A_390 = arith.constant 2 : i32
    %dma_start3A_391 = arith.constant 0 : i32
    %dma_start3A_392 = arith.constant 0 : i32
    %dma_start3A_393 = tpu.memref_slice %arg10[%dma_start3A_388, %dma_start3A_389, %dma_start3A_391, %dma_start3A_392] : memref<6x4x16x128xf32, #tpu.memory_space<vmem>> -> memref<1x1x16x128xf32, #tpu.memory_space<vmem>>
    %dma_start3A_394 = tpu.memref_squeeze %dma_start3A_393 : memref<1x1x16x128xf32, #tpu.memory_space<vmem>> -> memref<16x128xf32, #tpu.memory_space<vmem>>
    %dma_start3A_395 = arith.constant 0 : i32
    %dma_start3A_396 = tpu.memref_slice %arg5[%dma_start3A_395, %multiple_of3A_387] : memref<16x1000000xf32, #tpu.memory_space<hbm>> -> memref<16x128xf32, #tpu.memory_space<hbm>>
    %dma_start3A_397 = tpu.memref_slice %arg14[%dma_start3A_390] : memref<6x!tpu.dma_semaphore, #tpu.memory_space<semaphore_mem>> -> memref<1x!tpu.dma_semaphore, #tpu.memory_space<semaphore_mem>>
    %dma_start3A_398 = tpu.memref_squeeze %dma_start3A_397 : memref<1x!tpu.dma_semaphore, #tpu.memory_space<semaphore_mem>> -> memref<!tpu.dma_semaphore, #tpu.memory_space<semaphore_mem>>
    %dma_start3A_399 = arith.constant 0 : i32
    %dma_start3A_400 = arith.constant 0 : i32
    %dma_start3A_401 = tpu.memref_slice %arg10[%dma_start3A_388, %dma_start3A_389, %dma_start3A_399, %dma_start3A_400] : memref<6x4x16x128xf32, #tpu.memory_space<vmem>> -> memref<1x1x16x128xf32, #tpu.memory_space<vmem>>
    %dma_start3A_402 = tpu.memref_squeeze %dma_start3A_401 : memref<1x1x16x128xf32, #tpu.memory_space<vmem>> -> memref<16x128xf32, #tpu.memory_space<vmem>>
    %dma_start3A_403 = arith.constant 0 : i32
    %dma_start3A_404 = tpu.memref_slice %arg5[%dma_start3A_403, %multiple_of3A_387] : memref<16x1000000xf32, #tpu.memory_space<hbm>> -> memref<16x128xf32, #tpu.memory_space<hbm>>
    tpu.enqueue_dma source(%dma_start3A_404 : memref<16x128xf32, #tpu.memory_space<hbm>>) target(%dma_start3A_402 : memref<16x128xf32, #tpu.memory_space<vmem>>) target_semaphore(%dma_start3A_398 : memref<!tpu.dma_semaphore, #tpu.memory_space<semaphore_mem>>)
    %slice3A_405 = vector.extract_strided_slice %get3A_358 {offsets = [1], sizes = [1], strides = [1]} : vector<16xi32> to vector<1xi32>
    %squeeze3A_406 = vector.extract %slice3A_405[0] : i32 from vector<1xi32>
    %and3A_407 = arith.constant -128 : i32
    %and3A_408 = arith.andi %squeeze3A_406, %and3A_407 : i32
    %multiple_of3A_409 = tpu.assume_multiple %and3A_408, 128 : i32
    %dma_start3A_410 = arith.constant 2 : i32
    %dma_start3A_411 = arith.constant 1 : i32
    %dma_start3A_412 = arith.constant 2 : i32
    %dma_start3A_413 = arith.constant 0 : i32
    %dma_start3A_414 = arith.constant 0 : i32
    %dma_start3A_415 = tpu.memref_slice %arg9[%dma_start3A_410, %dma_start3A_411, %dma_start3A_413, %dma_start3A_414] : memref<6x4x16x128xf32, #tpu.memory_space<vmem>> -> memref<1x1x16x128xf32, #tpu.memory_space<vmem>>
    %dma_start3A_416 = tpu.memref_squeeze %dma_start3A_415 : memref<1x1x16x128xf32, #tpu.memory_space<vmem>> -> memref<16x128xf32, #tpu.memory_space<vmem>>
    %dma_start3A_417 = arith.constant 0 : i32
    %dma_start3A_418 = tpu.memref_slice %arg4[%dma_start3A_417, %multiple_of3A_409] : memref<16x1000000xf32, #tpu.memory_space<hbm>> -> memref<16x128xf32, #tpu.memory_space<hbm>>
    %dma_start3A_419 = tpu.memref_slice %arg13[%dma_start3A_412] : memref<6x!tpu.dma_semaphore, #tpu.memory_space<semaphore_mem>> -> memref<1x!tpu.dma_semaphore, #tpu.memory_space<semaphore_mem>>
    %dma_start3A_420 = tpu.memref_squeeze %dma_start3A_419 : memref<1x!tpu.dma_semaphore, #tpu.memory_space<semaphore_mem>> -> memref<!tpu.dma_semaphore, #tpu.memory_space<semaphore_mem>>
    %dma_start3A_421 = arith.constant 0 : i32
    %dma_start3A_422 = arith.constant 0 : i32
    %dma_start3A_423 = tpu.memref_slice %arg9[%dma_start3A_410, %dma_start3A_411, %dma_start3A_421, %dma_start3A_422] : memref<6x4x16x128xf32, #tpu.memory_space<vmem>> -> memref<1x1x16x128xf32, #tpu.memory_space<vmem>>
    %dma_start3A_424 = tpu.memref_squeeze %dma_start3A_423 : memref<1x1x16x128xf32, #tpu.memory_space<vmem>> -> memref<16x128xf32, #tpu.memory_space<vmem>>
    %dma_start3A_425 = arith.constant 0 : i32
    %dma_start3A_426 = tpu.memref_slice %arg4[%dma_start3A_425, %multiple_of3A_409] : memref<16x1000000xf32, #tpu.memory_space<hbm>> -> memref<16x128xf32, #tpu.memory_space<hbm>>
    tpu.enqueue_dma source(%dma_start3A_426 : memref<16x128xf32, #tpu.memory_space<hbm>>) target(%dma_start3A_424 : memref<16x128xf32, #tpu.memory_space<vmem>>) target_semaphore(%dma_start3A_420 : memref<!tpu.dma_semaphore, #tpu.memory_space<semaphore_mem>>)
    %slice3A_427 = vector.extract_strided_slice %get3A_360 {offsets = [1], sizes = [1], strides = [1]} : vector<16xi32> to vector<1xi32>
    %squeeze3A_428 = vector.extract %slice3A_427[0] : i32 from vector<1xi32>
    %and3A_429 = arith.constant -128 : i32
    %and3A_430 = arith.andi %squeeze3A_428, %and3A_429 : i32
    %multiple_of3A_431 = tpu.assume_multiple %and3A_430, 128 : i32
    %dma_start3A_432 = arith.constant 2 : i32
    %dma_start3A_433 = arith.constant 1 : i32
    %dma_start3A_434 = arith.constant 2 : i32
    %dma_start3A_435 = arith.constant 0 : i32
    %dma_start3A_436 = arith.constant 0 : i32
    %dma_start3A_437 = tpu.memref_slice %arg10[%dma_start3A_432, %dma_start3A_433, %dma_start3A_435, %dma_start3A_436] : memref<6x4x16x128xf32, #tpu.memory_space<vmem>> -> memref<1x1x16x128xf32, #tpu.memory_space<vmem>>
    %dma_start3A_438 = tpu.memref_squeeze %dma_start3A_437 : memref<1x1x16x128xf32, #tpu.memory_space<vmem>> -> memref<16x128xf32, #tpu.memory_space<vmem>>
    %dma_start3A_439 = arith.constant 0 : i32
    %dma_start3A_440 = tpu.memref_slice %arg5[%dma_start3A_439, %multiple_of3A_431] : memref<16x1000000xf32, #tpu.memory_space<hbm>> -> memref<16x128xf32, #tpu.memory_space<hbm>>
    %dma_start3A_441 = tpu.memref_slice %arg14[%dma_start3A_434] : memref<6x!tpu.dma_semaphore, #tpu.memory_space<semaphore_mem>> -> memref<1x!tpu.dma_semaphore, #tpu.memory_space<semaphore_mem>>
    %dma_start3A_442 = tpu.memref_squeeze %dma_start3A_441 : memref<1x!tpu.dma_semaphore, #tpu.memory_space<semaphore_mem>> -> memref<!tpu.dma_semaphore, #tpu.memory_space<semaphore_mem>>
    %dma_start3A_443 = arith.constant 0 : i32
    %dma_start3A_444 = arith.constant 0 : i32
    %dma_start3A_445 = tpu.memref_slice %arg10[%dma_start3A_432, %dma_start3A_433, %dma_start3A_443, %dma_start3A_444] : memref<6x4x16x128xf32, #tpu.memory_space<vmem>> -> memref<1x1x16x128xf32, #tpu.memory_space<vmem>>
    %dma_start3A_446 = tpu.memref_squeeze %dma_start3A_445 : memref<1x1x16x128xf32, #tpu.memory_space<vmem>> -> memref<16x128xf32, #tpu.memory_space<vmem>>
    %dma_start3A_447 = arith.constant 0 : i32
    %dma_start3A_448 = tpu.memref_slice %arg5[%dma_start3A_447, %multiple_of3A_431] : memref<16x1000000xf32, #tpu.memory_space<hbm>> -> memref<16x128xf32, #tpu.memory_space<hbm>>
    tpu.enqueue_dma source(%dma_start3A_448 : memref<16x128xf32, #tpu.memory_space<hbm>>) target(%dma_start3A_446 : memref<16x128xf32, #tpu.memory_space<vmem>>) target_semaphore(%dma_start3A_442 : memref<!tpu.dma_semaphore, #tpu.memory_space<semaphore_mem>>)
    %slice3A_449 = vector.extract_strided_slice %get3A_358 {offsets = [2], sizes = [1], strides = [1]} : vector<16xi32> to vector<1xi32>
    %squeeze3A_450 = vector.extract %slice3A_449[0] : i32 from vector<1xi32>
    %and3A_451 = arith.constant -128 : i32
    %and3A_452 = arith.andi %squeeze3A_450, %and3A_451 : i32
    %multiple_of3A_453 = tpu.assume_multiple %and3A_452, 128 : i32
    %dma_start3A_454 = arith.constant 2 : i32
    %dma_start3A_455 = arith.constant 2 : i32
    %dma_start3A_456 = arith.constant 2 : i32
    %dma_start3A_457 = arith.constant 0 : i32
    %dma_start3A_458 = arith.constant 0 : i32
    %dma_start3A_459 = tpu.memref_slice %arg9[%dma_start3A_454, %dma_start3A_455, %dma_start3A_457, %dma_start3A_458] : memref<6x4x16x128xf32, #tpu.memory_space<vmem>> -> memref<1x1x16x128xf32, #tpu.memory_space<vmem>>
    %dma_start3A_460 = tpu.memref_squeeze %dma_start3A_459 : memref<1x1x16x128xf32, #tpu.memory_space<vmem>> -> memref<16x128xf32, #tpu.memory_space<vmem>>
    %dma_start3A_461 = arith.constant 0 : i32
    %dma_start3A_462 = tpu.memref_slice %arg4[%dma_start3A_461, %multiple_of3A_453] : memref<16x1000000xf32, #tpu.memory_space<hbm>> -> memref<16x128xf32, #tpu.memory_space<hbm>>
    %dma_start3A_463 = tpu.memref_slice %arg13[%dma_start3A_456] : memref<6x!tpu.dma_semaphore, #tpu.memory_space<semaphore_mem>> -> memref<1x!tpu.dma_semaphore, #tpu.memory_space<semaphore_mem>>
    %dma_start3A_464 = tpu.memref_squeeze %dma_start3A_463 : memref<1x!tpu.dma_semaphore, #tpu.memory_space<semaphore_mem>> -> memref<!tpu.dma_semaphore, #tpu.memory_space<semaphore_mem>>
    %dma_start3A_465 = arith.constant 0 : i32
    %dma_start3A_466 = arith.constant 0 : i32
    %dma_start3A_467 = tpu.memref_slice %arg9[%dma_start3A_454, %dma_start3A_455, %dma_start3A_465, %dma_start3A_466] : memref<6x4x16x128xf32, #tpu.memory_space<vmem>> -> memref<1x1x16x128xf32, #tpu.memory_space<vmem>>
    %dma_start3A_468 = tpu.memref_squeeze %dma_start3A_467 : memref<1x1x16x128xf32, #tpu.memory_space<vmem>> -> memref<16x128xf32, #tpu.memory_space<vmem>>
    %dma_start3A_469 = arith.constant 0 : i32
    %dma_start3A_470 = tpu.memref_slice %arg4[%dma_start3A_469, %multiple_of3A_453] : memref<16x1000000xf32, #tpu.memory_space<hbm>> -> memref<16x128xf32, #tpu.memory_space<hbm>>
    tpu.enqueue_dma source(%dma_start3A_470 : memref<16x128xf32, #tpu.memory_space<hbm>>) target(%dma_start3A_468 : memref<16x128xf32, #tpu.memory_space<vmem>>) target_semaphore(%dma_start3A_464 : memref<!tpu.dma_semaphore, #tpu.memory_space<semaphore_mem>>)
    %slice3A_471 = vector.extract_strided_slice %get3A_360 {offsets = [2], sizes = [1], strides = [1]} : vector<16xi32> to vector<1xi32>
    %squeeze3A_472 = vector.extract %slice3A_471[0] : i32 from vector<1xi32>
    %and3A_473 = arith.constant -128 : i32
    %and3A_474 = arith.andi %squeeze3A_472, %and3A_473 : i32
    %multiple_of3A_475 = tpu.assume_multiple %and3A_474, 128 : i32
    %dma_start3A_476 = arith.constant 2 : i32
    %dma_start3A_477 = arith.constant 2 : i32
    %dma_start3A_478 = arith.constant 2 : i32
    %dma_start3A_479 = arith.constant 0 : i32
    %dma_start3A_480 = arith.constant 0 : i32
    %dma_start3A_481 = tpu.memref_slice %arg10[%dma_start3A_476, %dma_start3A_477, %dma_start3A_479, %dma_start3A_480] : memref<6x4x16x128xf32, #tpu.memory_space<vmem>> -> memref<1x1x16x128xf32, #tpu.memory_space<vmem>>
    %dma_start3A_482 = tpu.memref_squeeze %dma_start3A_481 : memref<1x1x16x128xf32, #tpu.memory_space<vmem>> -> memref<16x128xf32, #tpu.memory_space<vmem>>
    %dma_start3A_483 = arith.constant 0 : i32
    %dma_start3A_484 = tpu.memref_slice %arg5[%dma_start3A_483, %multiple_of3A_475] : memref<16x1000000xf32, #tpu.memory_space<hbm>> -> memref<16x128xf32, #tpu.memory_space<hbm>>
    %dma_start3A_485 = tpu.memref_slice %arg14[%dma_start3A_478] : memref<6x!tpu.dma_semaphore, #tpu.memory_space<semaphore_mem>> -> memref<1x!tpu.dma_semaphore, #tpu.memory_space<semaphore_mem>>
    %dma_start3A_486 = tpu.memref_squeeze %dma_start3A_485 : memref<1x!tpu.dma_semaphore, #tpu.memory_space<semaphore_mem>> -> memref<!tpu.dma_semaphore, #tpu.memory_space<semaphore_mem>>
    %dma_start3A_487 = arith.constant 0 : i32
    %dma_start3A_488 = arith.constant 0 : i32
    %dma_start3A_489 = tpu.memref_slice %arg10[%dma_start3A_476, %dma_start3A_477, %dma_start3A_487, %dma_start3A_488] : memref<6x4x16x128xf32, #tpu.memory_space<vmem>> -> memref<1x1x16x128xf32, #tpu.memory_space<vmem>>
    %dma_start3A_490 = tpu.memref_squeeze %dma_start3A_489 : memref<1x1x16x128xf32, #tpu.memory_space<vmem>> -> memref<16x128xf32, #tpu.memory_space<vmem>>
    %dma_start3A_491 = arith.constant 0 : i32
    %dma_start3A_492 = tpu.memref_slice %arg5[%dma_start3A_491, %multiple_of3A_475] : memref<16x1000000xf32, #tpu.memory_space<hbm>> -> memref<16x128xf32, #tpu.memory_space<hbm>>
    tpu.enqueue_dma source(%dma_start3A_492 : memref<16x128xf32, #tpu.memory_space<hbm>>) target(%dma_start3A_490 : memref<16x128xf32, #tpu.memory_space<vmem>>) target_semaphore(%dma_start3A_486 : memref<!tpu.dma_semaphore, #tpu.memory_space<semaphore_mem>>)
    %slice3A_493 = vector.extract_strided_slice %get3A_358 {offsets = [3], sizes = [1], strides = [1]} : vector<16xi32> to vector<1xi32>
    %squeeze3A_494 = vector.extract %slice3A_493[0] : i32 from vector<1xi32>
    %and3A_495 = arith.constant -128 : i32
    %and3A_496 = arith.andi %squeeze3A_494, %and3A_495 : i32
    %multiple_of3A_497 = tpu.assume_multiple %and3A_496, 128 : i32
    %dma_start3A_498 = arith.constant 2 : i32
    %dma_start3A_499 = arith.constant 3 : i32
    %dma_start3A_500 = arith.constant 2 : i32
    %dma_start3A_501 = arith.constant 0 : i32
    %dma_start3A_502 = arith.constant 0 : i32
    %dma_start3A_503 = tpu.memref_slice %arg9[%dma_start3A_498, %dma_start3A_499, %dma_start3A_501, %dma_start3A_502] : memref<6x4x16x128xf32, #tpu.memory_space<vmem>> -> memref<1x1x16x128xf32, #tpu.memory_space<vmem>>
    %dma_start3A_504 = tpu.memref_squeeze %dma_start3A_503 : memref<1x1x16x128xf32, #tpu.memory_space<vmem>> -> memref<16x128xf32, #tpu.memory_space<vmem>>
    %dma_start3A_505 = arith.constant 0 : i32
    %dma_start3A_506 = tpu.memref_slice %arg4[%dma_start3A_505, %multiple_of3A_497] : memref<16x1000000xf32, #tpu.memory_space<hbm>> -> memref<16x128xf32, #tpu.memory_space<hbm>>
    %dma_start3A_507 = tpu.memref_slice %arg13[%dma_start3A_500] : memref<6x!tpu.dma_semaphore, #tpu.memory_space<semaphore_mem>> -> memref<1x!tpu.dma_semaphore, #tpu.memory_space<semaphore_mem>>
    %dma_start3A_508 = tpu.memref_squeeze %dma_start3A_507 : memref<1x!tpu.dma_semaphore, #tpu.memory_space<semaphore_mem>> -> memref<!tpu.dma_semaphore, #tpu.memory_space<semaphore_mem>>
    %dma_start3A_509 = arith.constant 0 : i32
    %dma_start3A_510 = arith.constant 0 : i32
    %dma_start3A_511 = tpu.memref_slice %arg9[%dma_start3A_498, %dma_start3A_499, %dma_start3A_509, %dma_start3A_510] : memref<6x4x16x128xf32, #tpu.memory_space<vmem>> -> memref<1x1x16x128xf32, #tpu.memory_space<vmem>>
    %dma_start3A_512 = tpu.memref_squeeze %dma_start3A_511 : memref<1x1x16x128xf32, #tpu.memory_space<vmem>> -> memref<16x128xf32, #tpu.memory_space<vmem>>
    %dma_start3A_513 = arith.constant 0 : i32
    %dma_start3A_514 = tpu.memref_slice %arg4[%dma_start3A_513, %multiple_of3A_497] : memref<16x1000000xf32, #tpu.memory_space<hbm>> -> memref<16x128xf32, #tpu.memory_space<hbm>>
    tpu.enqueue_dma source(%dma_start3A_514 : memref<16x128xf32, #tpu.memory_space<hbm>>) target(%dma_start3A_512 : memref<16x128xf32, #tpu.memory_space<vmem>>) target_semaphore(%dma_start3A_508 : memref<!tpu.dma_semaphore, #tpu.memory_space<semaphore_mem>>)
    %slice3A_515 = vector.extract_strided_slice %get3A_360 {offsets = [3], sizes = [1], strides = [1]} : vector<16xi32> to vector<1xi32>
    %squeeze3A_516 = vector.extract %slice3A_515[0] : i32 from vector<1xi32>
    %and3A_517 = arith.constant -128 : i32
    %and3A_518 = arith.andi %squeeze3A_516, %and3A_517 : i32
    %multiple_of3A_519 = tpu.assume_multiple %and3A_518, 128 : i32
    %dma_start3A_520 = arith.constant 2 : i32
    %dma_start3A_521 = arith.constant 3 : i32
    %dma_start3A_522 = arith.constant 2 : i32
    %dma_start3A_523 = arith.constant 0 : i32
    %dma_start3A_524 = arith.constant 0 : i32
    %dma_start3A_525 = tpu.memref_slice %arg10[%dma_start3A_520, %dma_start3A_521, %dma_start3A_523, %dma_start3A_524] : memref<6x4x16x128xf32, #tpu.memory_space<vmem>> -> memref<1x1x16x128xf32, #tpu.memory_space<vmem>>
    %dma_start3A_526 = tpu.memref_squeeze %dma_start3A_525 : memref<1x1x16x128xf32, #tpu.memory_space<vmem>> -> memref<16x128xf32, #tpu.memory_space<vmem>>
    %dma_start3A_527 = arith.constant 0 : i32
    %dma_start3A_528 = tpu.memref_slice %arg5[%dma_start3A_527, %multiple_of3A_519] : memref<16x1000000xf32, #tpu.memory_space<hbm>> -> memref<16x128xf32, #tpu.memory_space<hbm>>
    %dma_start3A_529 = tpu.memref_slice %arg14[%dma_start3A_522] : memref<6x!tpu.dma_semaphore, #tpu.memory_space<semaphore_mem>> -> memref<1x!tpu.dma_semaphore, #tpu.memory_space<semaphore_mem>>
    %dma_start3A_530 = tpu.memref_squeeze %dma_start3A_529 : memref<1x!tpu.dma_semaphore, #tpu.memory_space<semaphore_mem>> -> memref<!tpu.dma_semaphore, #tpu.memory_space<semaphore_mem>>
    %dma_start3A_531 = arith.constant 0 : i32
    %dma_start3A_532 = arith.constant 0 : i32
    %dma_start3A_533 = tpu.memref_slice %arg10[%dma_start3A_520, %dma_start3A_521, %dma_start3A_531, %dma_start3A_532] : memref<6x4x16x128xf32, #tpu.memory_space<vmem>> -> memref<1x1x16x128xf32, #tpu.memory_space<vmem>>
    %dma_start3A_534 = tpu.memref_squeeze %dma_start3A_533 : memref<1x1x16x128xf32, #tpu.memory_space<vmem>> -> memref<16x128xf32, #tpu.memory_space<vmem>>
    %dma_start3A_535 = arith.constant 0 : i32
    %dma_start3A_536 = tpu.memref_slice %arg5[%dma_start3A_535, %multiple_of3A_519] : memref<16x1000000xf32, #tpu.memory_space<hbm>> -> memref<16x128xf32, #tpu.memory_space<hbm>>
    tpu.enqueue_dma source(%dma_start3A_536 : memref<16x128xf32, #tpu.memory_space<hbm>>) target(%dma_start3A_534 : memref<16x128xf32, #tpu.memory_space<vmem>>) target_semaphore(%dma_start3A_530 : memref<!tpu.dma_semaphore, #tpu.memory_space<semaphore_mem>>)
    %get3A_537 = arith.constant 12 : index
    %get3A_538 = tpu.vector_load %arg7[%get3A_537] {strides = array<i32>} : memref<528xi32, #tpu.memory_space<vmem>>, vector<16xi32>,
    %get3A_539 = arith.constant 12 : index
    %get3A_540 = tpu.vector_load %arg8[%get3A_539] {strides = array<i32>} : memref<528xi32, #tpu.memory_space<vmem>>, vector<16xi32>,
    %slice3A_541 = vector.extract_strided_slice %get3A_538 {offsets = [0], sizes = [1], strides = [1]} : vector<16xi32> to vector<1xi32>
    %squeeze3A_542 = vector.extract %slice3A_541[0] : i32 from vector<1xi32>
    %and3A_543 = arith.constant -128 : i32
    %and3A_544 = arith.andi %squeeze3A_542, %and3A_543 : i32
    %multiple_of3A_545 = tpu.assume_multiple %and3A_544, 128 : i32
    %dma_start3A_546 = arith.constant 3 : i32
    %dma_start3A_547 = arith.constant 0 : i32
    %dma_start3A_548 = arith.constant 3 : i32
    %dma_start3A_549 = arith.constant 0 : i32
    %dma_start3A_550 = arith.constant 0 : i32
    %dma_start3A_551 = tpu.memref_slice %arg9[%dma_start3A_546, %dma_start3A_547, %dma_start3A_549, %dma_start3A_550] : memref<6x4x16x128xf32, #tpu.memory_space<vmem>> -> memref<1x1x16x128xf32, #tpu.memory_space<vmem>>
    %dma_start3A_552 = tpu.memref_squeeze %dma_start3A_551 : memref<1x1x16x128xf32, #tpu.memory_space<vmem>> -> memref<16x128xf32, #tpu.memory_space<vmem>>
    %dma_start3A_553 = arith.constant 0 : i32
    %dma_start3A_554 = tpu.memref_slice %arg4[%dma_start3A_553, %multiple_of3A_545] : memref<16x1000000xf32, #tpu.memory_space<hbm>> -> memref<16x128xf32, #tpu.memory_space<hbm>>
    %dma_start3A_555 = tpu.memref_slice %arg13[%dma_start3A_548] : memref<6x!tpu.dma_semaphore, #tpu.memory_space<semaphore_mem>> -> memref<1x!tpu.dma_semaphore, #tpu.memory_space<semaphore_mem>>
    %dma_start3A_556 = tpu.memref_squeeze %dma_start3A_555 : memref<1x!tpu.dma_semaphore, #tpu.memory_space<semaphore_mem>> -> memref<!tpu.dma_semaphore, #tpu.memory_space<semaphore_mem>>
    %dma_start3A_557 = arith.constant 0 : i32
    %dma_start3A_558 = arith.constant 0 : i32
    %dma_start3A_559 = tpu.memref_slice %arg9[%dma_start3A_546, %dma_start3A_547, %dma_start3A_557, %dma_start3A_558] : memref<6x4x16x128xf32, #tpu.memory_space<vmem>> -> memref<1x1x16x128xf32, #tpu.memory_space<vmem>>
    %dma_start3A_560 = tpu.memref_squeeze %dma_start3A_559 : memref<1x1x16x128xf32, #tpu.memory_space<vmem>> -> memref<16x128xf32, #tpu.memory_space<vmem>>
    %dma_start3A_561 = arith.constant 0 : i32
    %dma_start3A_562 = tpu.memref_slice %arg4[%dma_start3A_561, %multiple_of3A_545] : memref<16x1000000xf32, #tpu.memory_space<hbm>> -> memref<16x128xf32, #tpu.memory_space<hbm>>
    tpu.enqueue_dma source(%dma_start3A_562 : memref<16x128xf32, #tpu.memory_space<hbm>>) target(%dma_start3A_560 : memref<16x128xf32, #tpu.memory_space<vmem>>) target_semaphore(%dma_start3A_556 : memref<!tpu.dma_semaphore, #tpu.memory_space<semaphore_mem>>)
    %slice3A_563 = vector.extract_strided_slice %get3A_540 {offsets = [0], sizes = [1], strides = [1]} : vector<16xi32> to vector<1xi32>
    %squeeze3A_564 = vector.extract %slice3A_563[0] : i32 from vector<1xi32>
    %and3A_565 = arith.constant -128 : i32
    %and3A_566 = arith.andi %squeeze3A_564, %and3A_565 : i32
    %multiple_of3A_567 = tpu.assume_multiple %and3A_566, 128 : i32
    %dma_start3A_568 = arith.constant 3 : i32
    %dma_start3A_569 = arith.constant 0 : i32
    %dma_start3A_570 = arith.constant 3 : i32
    %dma_start3A_571 = arith.constant 0 : i32
    %dma_start3A_572 = arith.constant 0 : i32
    %dma_start3A_573 = tpu.memref_slice %arg10[%dma_start3A_568, %dma_start3A_569, %dma_start3A_571, %dma_start3A_572] : memref<6x4x16x128xf32, #tpu.memory_space<vmem>> -> memref<1x1x16x128xf32, #tpu.memory_space<vmem>>
    %dma_start3A_574 = tpu.memref_squeeze %dma_start3A_573 : memref<1x1x16x128xf32, #tpu.memory_space<vmem>> -> memref<16x128xf32, #tpu.memory_space<vmem>>
    %dma_start3A_575 = arith.constant 0 : i32
    %dma_start3A_576 = tpu.memref_slice %arg5[%dma_start3A_575, %multiple_of3A_567] : memref<16x1000000xf32, #tpu.memory_space<hbm>> -> memref<16x128xf32, #tpu.memory_space<hbm>>
    %dma_start3A_577 = tpu.memref_slice %arg14[%dma_start3A_570] : memref<6x!tpu.dma_semaphore, #tpu.memory_space<semaphore_mem>> -> memref<1x!tpu.dma_semaphore, #tpu.memory_space<semaphore_mem>>
    %dma_start3A_578 = tpu.memref_squeeze %dma_start3A_577 : memref<1x!tpu.dma_semaphore, #tpu.memory_space<semaphore_mem>> -> memref<!tpu.dma_semaphore, #tpu.memory_space<semaphore_mem>>
    %dma_start3A_579 = arith.constant 0 : i32
    %dma_start3A_580 = arith.constant 0 : i32
    %dma_start3A_581 = tpu.memref_slice %arg10[%dma_start3A_568, %dma_start3A_569, %dma_start3A_579, %dma_start3A_580] : memref<6x4x16x128xf32, #tpu.memory_space<vmem>> -> memref<1x1x16x128xf32, #tpu.memory_space<vmem>>
    %dma_start3A_582 = tpu.memref_squeeze %dma_start3A_581 : memref<1x1x16x128xf32, #tpu.memory_space<vmem>> -> memref<16x128xf32, #tpu.memory_space<vmem>>
    %dma_start3A_583 = arith.constant 0 : i32
    %dma_start3A_584 = tpu.memref_slice %arg5[%dma_start3A_583, %multiple_of3A_567] : memref<16x1000000xf32, #tpu.memory_space<hbm>> -> memref<16x128xf32, #tpu.memory_space<hbm>>
    tpu.enqueue_dma source(%dma_start3A_584 : memref<16x128xf32, #tpu.memory_space<hbm>>) target(%dma_start3A_582 : memref<16x128xf32, #tpu.memory_space<vmem>>) target_semaphore(%dma_start3A_578 : memref<!tpu.dma_semaphore, #tpu.memory_space<semaphore_mem>>)
    %slice3A_585 = vector.extract_strided_slice %get3A_538 {offsets = [1], sizes = [1], strides = [1]} : vector<16xi32> to vector<1xi32>
    %squeeze3A_586 = vector.extract %slice3A_585[0] : i32 from vector<1xi32>
    %and3A_587 = arith.constant -128 : i32
    %and3A_588 = arith.andi %squeeze3A_586, %and3A_587 : i32
    %multiple_of3A_589 = tpu.assume_multiple %and3A_588, 128 : i32
    %dma_start3A_590 = arith.constant 3 : i32
    %dma_start3A_591 = arith.constant 1 : i32
    %dma_start3A_592 = arith.constant 3 : i32
    %dma_start3A_593 = arith.constant 0 : i32
    %dma_start3A_594 = arith.constant 0 : i32
    %dma_start3A_595 = tpu.memref_slice %arg9[%dma_start3A_590, %dma_start3A_591, %dma_start3A_593, %dma_start3A_594] : memref<6x4x16x128xf32, #tpu.memory_space<vmem>> -> memref<1x1x16x128xf32, #tpu.memory_space<vmem>>
    %dma_start3A_596 = tpu.memref_squeeze %dma_start3A_595 : memref<1x1x16x128xf32, #tpu.memory_space<vmem>> -> memref<16x128xf32, #tpu.memory_space<vmem>>
    %dma_start3A_597 = arith.constant 0 : i32
    %dma_start3A_598 = tpu.memref_slice %arg4[%dma_start3A_597, %multiple_of3A_589] : memref<16x1000000xf32, #tpu.memory_space<hbm>> -> memref<16x128xf32, #tpu.memory_space<hbm>>
    %dma_start3A_599 = tpu.memref_slice %arg13[%dma_start3A_592] : memref<6x!tpu.dma_semaphore, #tpu.memory_space<semaphore_mem>> -> memref<1x!tpu.dma_semaphore, #tpu.memory_space<semaphore_mem>>
    %dma_start3A_600 = tpu.memref_squeeze %dma_start3A_599 : memref<1x!tpu.dma_semaphore, #tpu.memory_space<semaphore_mem>> -> memref<!tpu.dma_semaphore, #tpu.memory_space<semaphore_mem>>
    %dma_start3A_601 = arith.constant 0 : i32
    %dma_start3A_602 = arith.constant 0 : i32
    %dma_start3A_603 = tpu.memref_slice %arg9[%dma_start3A_590, %dma_start3A_591, %dma_start3A_601, %dma_start3A_602] : memref<6x4x16x128xf32, #tpu.memory_space<vmem>> -> memref<1x1x16x128xf32, #tpu.memory_space<vmem>>
    %dma_start3A_604 = tpu.memref_squeeze %dma_start3A_603 : memref<1x1x16x128xf32, #tpu.memory_space<vmem>> -> memref<16x128xf32, #tpu.memory_space<vmem>>
    %dma_start3A_605 = arith.constant 0 : i32
    %dma_start3A_606 = tpu.memref_slice %arg4[%dma_start3A_605, %multiple_of3A_589] : memref<16x1000000xf32, #tpu.memory_space<hbm>> -> memref<16x128xf32, #tpu.memory_space<hbm>>
    tpu.enqueue_dma source(%dma_start3A_606 : memref<16x128xf32, #tpu.memory_space<hbm>>) target(%dma_start3A_604 : memref<16x128xf32, #tpu.memory_space<vmem>>) target_semaphore(%dma_start3A_600 : memref<!tpu.dma_semaphore, #tpu.memory_space<semaphore_mem>>)
    %slice3A_607 = vector.extract_strided_slice %get3A_540 {offsets = [1], sizes = [1], strides = [1]} : vector<16xi32> to vector<1xi32>
    %squeeze3A_608 = vector.extract %slice3A_607[0] : i32 from vector<1xi32>
    %and3A_609 = arith.constant -128 : i32
    %and3A_610 = arith.andi %squeeze3A_608, %and3A_609 : i32
    %multiple_of3A_611 = tpu.assume_multiple %and3A_610, 128 : i32
    %dma_start3A_612 = arith.constant 3 : i32
    %dma_start3A_613 = arith.constant 1 : i32
    %dma_start3A_614 = arith.constant 3 : i32
    %dma_start3A_615 = arith.constant 0 : i32
    %dma_start3A_616 = arith.constant 0 : i32
    %dma_start3A_617 = tpu.memref_slice %arg10[%dma_start3A_612, %dma_start3A_613, %dma_start3A_615, %dma_start3A_616] : memref<6x4x16x128xf32, #tpu.memory_space<vmem>> -> memref<1x1x16x128xf32, #tpu.memory_space<vmem>>
    %dma_start3A_618 = tpu.memref_squeeze %dma_start3A_617 : memref<1x1x16x128xf32, #tpu.memory_space<vmem>> -> memref<16x128xf32, #tpu.memory_space<vmem>>
    %dma_start3A_619 = arith.constant 0 : i32
    %dma_start3A_620 = tpu.memref_slice %arg5[%dma_start3A_619, %multiple_of3A_611] : memref<16x1000000xf32, #tpu.memory_space<hbm>> -> memref<16x128xf32, #tpu.memory_space<hbm>>
    %dma_start3A_621 = tpu.memref_slice %arg14[%dma_start3A_614] : memref<6x!tpu.dma_semaphore, #tpu.memory_space<semaphore_mem>> -> memref<1x!tpu.dma_semaphore, #tpu.memory_space<semaphore_mem>>
    %dma_start3A_622 = tpu.memref_squeeze %dma_start3A_621 : memref<1x!tpu.dma_semaphore, #tpu.memory_space<semaphore_mem>> -> memref<!tpu.dma_semaphore, #tpu.memory_space<semaphore_mem>>
    %dma_start3A_623 = arith.constant 0 : i32
    %dma_start3A_624 = arith.constant 0 : i32
    %dma_start3A_625 = tpu.memref_slice %arg10[%dma_start3A_612, %dma_start3A_613, %dma_start3A_623, %dma_start3A_624] : memref<6x4x16x128xf32, #tpu.memory_space<vmem>> -> memref<1x1x16x128xf32, #tpu.memory_space<vmem>>
    %dma_start3A_626 = tpu.memref_squeeze %dma_start3A_625 : memref<1x1x16x128xf32, #tpu.memory_space<vmem>> -> memref<16x128xf32, #tpu.memory_space<vmem>>
    %dma_start3A_627 = arith.constant 0 : i32
    %dma_start3A_628 = tpu.memref_slice %arg5[%dma_start3A_627, %multiple_of3A_611] : memref<16x1000000xf32, #tpu.memory_space<hbm>> -> memref<16x128xf32, #tpu.memory_space<hbm>>
    tpu.enqueue_dma source(%dma_start3A_628 : memref<16x128xf32, #tpu.memory_space<hbm>>) target(%dma_start3A_626 : memref<16x128xf32, #tpu.memory_space<vmem>>) target_semaphore(%dma_start3A_622 : memref<!tpu.dma_semaphore, #tpu.memory_space<semaphore_mem>>)
    %slice3A_629 = vector.extract_strided_slice %get3A_538 {offsets = [2], sizes = [1], strides = [1]} : vector<16xi32> to vector<1xi32>
    %squeeze3A_630 = vector.extract %slice3A_629[0] : i32 from vector<1xi32>
    %and3A_631 = arith.constant -128 : i32
    %and3A_632 = arith.andi %squeeze3A_630, %and3A_631 : i32
    %multiple_of3A_633 = tpu.assume_multiple %and3A_632, 128 : i32
    %dma_start3A_634 = arith.constant 3 : i32
    %dma_start3A_635 = arith.constant 2 : i32
    %dma_start3A_636 = arith.constant 3 : i32
    %dma_start3A_637 = arith.constant 0 : i32
    %dma_start3A_638 = arith.constant 0 : i32
    %dma_start3A_639 = tpu.memref_slice %arg9[%dma_start3A_634, %dma_start3A_635, %dma_start3A_637, %dma_start3A_638] : memref<6x4x16x128xf32, #tpu.memory_space<vmem>> -> memref<1x1x16x128xf32, #tpu.memory_space<vmem>>
    %dma_start3A_640 = tpu.memref_squeeze %dma_start3A_639 : memref<1x1x16x128xf32, #tpu.memory_space<vmem>> -> memref<16x128xf32, #tpu.memory_space<vmem>>
    %dma_start3A_641 = arith.constant 0 : i32
    %dma_start3A_642 = tpu.memref_slice %arg4[%dma_start3A_641, %multiple_of3A_633] : memref<16x1000000xf32, #tpu.memory_space<hbm>> -> memref<16x128xf32, #tpu.memory_space<hbm>>
    %dma_start3A_643 = tpu.memref_slice %arg13[%dma_start3A_636] : memref<6x!tpu.dma_semaphore, #tpu.memory_space<semaphore_mem>> -> memref<1x!tpu.dma_semaphore, #tpu.memory_space<semaphore_mem>>
    %dma_start3A_644 = tpu.memref_squeeze %dma_start3A_643 : memref<1x!tpu.dma_semaphore, #tpu.memory_space<semaphore_mem>> -> memref<!tpu.dma_semaphore, #tpu.memory_space<semaphore_mem>>
    %dma_start3A_645 = arith.constant 0 : i32
    %dma_start3A_646 = arith.constant 0 : i32
    %dma_start3A_647 = tpu.memref_slice %arg9[%dma_start3A_634, %dma_start3A_635, %dma_start3A_645, %dma_start3A_646] : memref<6x4x16x128xf32, #tpu.memory_space<vmem>> -> memref<1x1x16x128xf32, #tpu.memory_space<vmem>>
    %dma_start3A_648 = tpu.memref_squeeze %dma_start3A_647 : memref<1x1x16x128xf32, #tpu.memory_space<vmem>> -> memref<16x128xf32, #tpu.memory_space<vmem>>
    %dma_start3A_649 = arith.constant 0 : i32
    %dma_start3A_650 = tpu.memref_slice %arg4[%dma_start3A_649, %multiple_of3A_633] : memref<16x1000000xf32, #tpu.memory_space<hbm>> -> memref<16x128xf32, #tpu.memory_space<hbm>>
    tpu.enqueue_dma source(%dma_start3A_650 : memref<16x128xf32, #tpu.memory_space<hbm>>) target(%dma_start3A_648 : memref<16x128xf32, #tpu.memory_space<vmem>>) target_semaphore(%dma_start3A_644 : memref<!tpu.dma_semaphore, #tpu.memory_space<semaphore_mem>>)
    %slice3A_651 = vector.extract_strided_slice %get3A_540 {offsets = [2], sizes = [1], strides = [1]} : vector<16xi32> to vector<1xi32>
    %squeeze3A_652 = vector.extract %slice3A_651[0] : i32 from vector<1xi32>
    %and3A_653 = arith.constant -128 : i32
    %and3A_654 = arith.andi %squeeze3A_652, %and3A_653 : i32
    %multiple_of3A_655 = tpu.assume_multiple %and3A_654, 128 : i32
    %dma_start3A_656 = arith.constant 3 : i32
    %dma_start3A_657 = arith.constant 2 : i32
    %dma_start3A_658 = arith.constant 3 : i32
    %dma_start3A_659 = arith.constant 0 : i32
    %dma_start3A_660 = arith.constant 0 : i32
    %dma_start3A_661 = tpu.memref_slice %arg10[%dma_start3A_656, %dma_start3A_657, %dma_start3A_659, %dma_start3A_660] : memref<6x4x16x128xf32, #tpu.memory_space<vmem>> -> memref<1x1x16x128xf32, #tpu.memory_space<vmem>>
    %dma_start3A_662 = tpu.memref_squeeze %dma_start3A_661 : memref<1x1x16x128xf32, #tpu.memory_space<vmem>> -> memref<16x128xf32, #tpu.memory_space<vmem>>
    %dma_start3A_663 = arith.constant 0 : i32
    %dma_start3A_664 = tpu.memref_slice %arg5[%dma_start3A_663, %multiple_of3A_655] : memref<16x1000000xf32, #tpu.memory_space<hbm>> -> memref<16x128xf32, #tpu.memory_space<hbm>>
    %dma_start3A_665 = tpu.memref_slice %arg14[%dma_start3A_658] : memref<6x!tpu.dma_semaphore, #tpu.memory_space<semaphore_mem>> -> memref<1x!tpu.dma_semaphore, #tpu.memory_space<semaphore_mem>>
    %dma_start3A_666 = tpu.memref_squeeze %dma_start3A_665 : memref<1x!tpu.dma_semaphore, #tpu.memory_space<semaphore_mem>> -> memref<!tpu.dma_semaphore, #tpu.memory_space<semaphore_mem>>
    %dma_start3A_667 = arith.constant 0 : i32
    %dma_start3A_668 = arith.constant 0 : i32
    %dma_start3A_669 = tpu.memref_slice %arg10[%dma_start3A_656, %dma_start3A_657, %dma_start3A_667, %dma_start3A_668] : memref<6x4x16x128xf32, #tpu.memory_space<vmem>> -> memref<1x1x16x128xf32, #tpu.memory_space<vmem>>
    %dma_start3A_670 = tpu.memref_squeeze %dma_start3A_669 : memref<1x1x16x128xf32, #tpu.memory_space<vmem>> -> memref<16x128xf32, #tpu.memory_space<vmem>>
    %dma_start3A_671 = arith.constant 0 : i32
    %dma_start3A_672 = tpu.memref_slice %arg5[%dma_start3A_671, %multiple_of3A_655] : memref<16x1000000xf32, #tpu.memory_space<hbm>> -> memref<16x128xf32, #tpu.memory_space<hbm>>
    tpu.enqueue_dma source(%dma_start3A_672 : memref<16x128xf32, #tpu.memory_space<hbm>>) target(%dma_start3A_670 : memref<16x128xf32, #tpu.memory_space<vmem>>) target_semaphore(%dma_start3A_666 : memref<!tpu.dma_semaphore, #tpu.memory_space<semaphore_mem>>)
    %slice3A_673 = vector.extract_strided_slice %get3A_538 {offsets = [3], sizes = [1], strides = [1]} : vector<16xi32> to vector<1xi32>
    %squeeze3A_674 = vector.extract %slice3A_673[0] : i32 from vector<1xi32>
    %and3A_675 = arith.constant -128 : i32
    %and3A_676 = arith.andi %squeeze3A_674, %and3A_675 : i32
    %multiple_of3A_677 = tpu.assume_multiple %and3A_676, 128 : i32
    %dma_start3A_678 = arith.constant 3 : i32
    %dma_start3A_679 = arith.constant 3 : i32
    %dma_start3A_680 = arith.constant 3 : i32
    %dma_start3A_681 = arith.constant 0 : i32
    %dma_start3A_682 = arith.constant 0 : i32
    %dma_start3A_683 = tpu.memref_slice %arg9[%dma_start3A_678, %dma_start3A_679, %dma_start3A_681, %dma_start3A_682] : memref<6x4x16x128xf32, #tpu.memory_space<vmem>> -> memref<1x1x16x128xf32, #tpu.memory_space<vmem>>
    %dma_start3A_684 = tpu.memref_squeeze %dma_start3A_683 : memref<1x1x16x128xf32, #tpu.memory_space<vmem>> -> memref<16x128xf32, #tpu.memory_space<vmem>>
    %dma_start3A_685 = arith.constant 0 : i32
    %dma_start3A_686 = tpu.memref_slice %arg4[%dma_start3A_685, %multiple_of3A_677] : memref<16x1000000xf32, #tpu.memory_space<hbm>> -> memref<16x128xf32, #tpu.memory_space<hbm>>
    %dma_start3A_687 = tpu.memref_slice %arg13[%dma_start3A_680] : memref<6x!tpu.dma_semaphore, #tpu.memory_space<semaphore_mem>> -> memref<1x!tpu.dma_semaphore, #tpu.memory_space<semaphore_mem>>
    %dma_start3A_688 = tpu.memref_squeeze %dma_start3A_687 : memref<1x!tpu.dma_semaphore, #tpu.memory_space<semaphore_mem>> -> memref<!tpu.dma_semaphore, #tpu.memory_space<semaphore_mem>>
    %dma_start3A_689 = arith.constant 0 : i32
    %dma_start3A_690 = arith.constant 0 : i32
    %dma_start3A_691 = tpu.memref_slice %arg9[%dma_start3A_678, %dma_start3A_679, %dma_start3A_689, %dma_start3A_690] : memref<6x4x16x128xf32, #tpu.memory_space<vmem>> -> memref<1x1x16x128xf32, #tpu.memory_space<vmem>>
    %dma_start3A_692 = tpu.memref_squeeze %dma_start3A_691 : memref<1x1x16x128xf32, #tpu.memory_space<vmem>> -> memref<16x128xf32, #tpu.memory_space<vmem>>
    %dma_start3A_693 = arith.constant 0 : i32
    %dma_start3A_694 = tpu.memref_slice %arg4[%dma_start3A_693, %multiple_of3A_677] : memref<16x1000000xf32, #tpu.memory_space<hbm>> -> memref<16x128xf32, #tpu.memory_space<hbm>>
    tpu.enqueue_dma source(%dma_start3A_694 : memref<16x128xf32, #tpu.memory_space<hbm>>) target(%dma_start3A_692 : memref<16x128xf32, #tpu.memory_space<vmem>>) target_semaphore(%dma_start3A_688 : memref<!tpu.dma_semaphore, #tpu.memory_space<semaphore_mem>>)
    %slice3A_695 = vector.extract_strided_slice %get3A_540 {offsets = [3], sizes = [1], strides = [1]} : vector<16xi32> to vector<1xi32>
    %squeeze3A_696 = vector.extract %slice3A_695[0] : i32 from vector<1xi32>
    %and3A_697 = arith.constant -128 : i32
    %and3A_698 = arith.andi %squeeze3A_696, %and3A_697 : i32
    %multiple_of3A_699 = tpu.assume_multiple %and3A_698, 128 : i32
    %dma_start3A_700 = arith.constant 3 : i32
    %dma_start3A_701 = arith.constant 3 : i32
    %dma_start3A_702 = arith.constant 3 : i32
    %dma_start3A_703 = arith.constant 0 : i32
    %dma_start3A_704 = arith.constant 0 : i32
    %dma_start3A_705 = tpu.memref_slice %arg10[%dma_start3A_700, %dma_start3A_701, %dma_start3A_703, %dma_start3A_704] : memref<6x4x16x128xf32, #tpu.memory_space<vmem>> -> memref<1x1x16x128xf32, #tpu.memory_space<vmem>>
    %dma_start3A_706 = tpu.memref_squeeze %dma_start3A_705 : memref<1x1x16x128xf32, #tpu.memory_space<vmem>> -> memref<16x128xf32, #tpu.memory_space<vmem>>
    %dma_start3A_707 = arith.constant 0 : i32
    %dma_start3A_708 = tpu.memref_slice %arg5[%dma_start3A_707, %multiple_of3A_699] : memref<16x1000000xf32, #tpu.memory_space<hbm>> -> memref<16x128xf32, #tpu.memory_space<hbm>>
    %dma_start3A_709 = tpu.memref_slice %arg14[%dma_start3A_702] : memref<6x!tpu.dma_semaphore, #tpu.memory_space<semaphore_mem>> -> memref<1x!tpu.dma_semaphore, #tpu.memory_space<semaphore_mem>>
    %dma_start3A_710 = tpu.memref_squeeze %dma_start3A_709 : memref<1x!tpu.dma_semaphore, #tpu.memory_space<semaphore_mem>> -> memref<!tpu.dma_semaphore, #tpu.memory_space<semaphore_mem>>
    %dma_start3A_711 = arith.constant 0 : i32
    %dma_start3A_712 = arith.constant 0 : i32
    %dma_start3A_713 = tpu.memref_slice %arg10[%dma_start3A_700, %dma_start3A_701, %dma_start3A_711, %dma_start3A_712] : memref<6x4x16x128xf32, #tpu.memory_space<vmem>> -> memref<1x1x16x128xf32, #tpu.memory_space<vmem>>
    %dma_start3A_714 = tpu.memref_squeeze %dma_start3A_713 : memref<1x1x16x128xf32, #tpu.memory_space<vmem>> -> memref<16x128xf32, #tpu.memory_space<vmem>>
    %dma_start3A_715 = arith.constant 0 : i32
    %dma_start3A_716 = tpu.memref_slice %arg5[%dma_start3A_715, %multiple_of3A_699] : memref<16x1000000xf32, #tpu.memory_space<hbm>> -> memref<16x128xf32, #tpu.memory_space<hbm>>
    tpu.enqueue_dma source(%dma_start3A_716 : memref<16x128xf32, #tpu.memory_space<hbm>>) target(%dma_start3A_714 : memref<16x128xf32, #tpu.memory_space<vmem>>) target_semaphore(%dma_start3A_710 : memref<!tpu.dma_semaphore, #tpu.memory_space<semaphore_mem>>)
    %get3A_717 = arith.constant 16 : index
    %get3A_718 = tpu.vector_load %arg7[%get3A_717] {strides = array<i32>} : memref<528xi32, #tpu.memory_space<vmem>>, vector<16xi32>,
    %get3A_719 = arith.constant 16 : index
    %get3A_720 = tpu.vector_load %arg8[%get3A_719] {strides = array<i32>} : memref<528xi32, #tpu.memory_space<vmem>>, vector<16xi32>,
    %slice3A_721 = vector.extract_strided_slice %get3A_718 {offsets = [0], sizes = [1], strides = [1]} : vector<16xi32> to vector<1xi32>
    %squeeze3A_722 = vector.extract %slice3A_721[0] : i32 from vector<1xi32>
    %and3A_723 = arith.constant -128 : i32
    %and3A_724 = arith.andi %squeeze3A_722, %and3A_723 : i32
    %multiple_of3A_725 = tpu.assume_multiple %and3A_724, 128 : i32
    %dma_start3A_726 = arith.constant 4 : i32
    %dma_start3A_727 = arith.constant 0 : i32
    %dma_start3A_728 = arith.constant 4 : i32
    %dma_start3A_729 = arith.constant 0 : i32
    %dma_start3A_730 = arith.constant 0 : i32
    %dma_start3A_731 = tpu.memref_slice %arg9[%dma_start3A_726, %dma_start3A_727, %dma_start3A_729, %dma_start3A_730] : memref<6x4x16x128xf32, #tpu.memory_space<vmem>> -> memref<1x1x16x128xf32, #tpu.memory_space<vmem>>
    %dma_start3A_732 = tpu.memref_squeeze %dma_start3A_731 : memref<1x1x16x128xf32, #tpu.memory_space<vmem>> -> memref<16x128xf32, #tpu.memory_space<vmem>>
    %dma_start3A_733 = arith.constant 0 : i32
    %dma_start3A_734 = tpu.memref_slice %arg4[%dma_start3A_733, %multiple_of3A_725] : memref<16x1000000xf32, #tpu.memory_space<hbm>> -> memref<16x128xf32, #tpu.memory_space<hbm>>
    %dma_start3A_735 = tpu.memref_slice %arg13[%dma_start3A_728] : memref<6x!tpu.dma_semaphore, #tpu.memory_space<semaphore_mem>> -> memref<1x!tpu.dma_semaphore, #tpu.memory_space<semaphore_mem>>
    %dma_start3A_736 = tpu.memref_squeeze %dma_start3A_735 : memref<1x!tpu.dma_semaphore, #tpu.memory_space<semaphore_mem>> -> memref<!tpu.dma_semaphore, #tpu.memory_space<semaphore_mem>>
    %dma_start3A_737 = arith.constant 0 : i32
    %dma_start3A_738 = arith.constant 0 : i32
    %dma_start3A_739 = tpu.memref_slice %arg9[%dma_start3A_726, %dma_start3A_727, %dma_start3A_737, %dma_start3A_738] : memref<6x4x16x128xf32, #tpu.memory_space<vmem>> -> memref<1x1x16x128xf32, #tpu.memory_space<vmem>>
    %dma_start3A_740 = tpu.memref_squeeze %dma_start3A_739 : memref<1x1x16x128xf32, #tpu.memory_space<vmem>> -> memref<16x128xf32, #tpu.memory_space<vmem>>
    %dma_start3A_741 = arith.constant 0 : i32
    %dma_start3A_742 = tpu.memref_slice %arg4[%dma_start3A_741, %multiple_of3A_725] : memref<16x1000000xf32, #tpu.memory_space<hbm>> -> memref<16x128xf32, #tpu.memory_space<hbm>>
    tpu.enqueue_dma source(%dma_start3A_742 : memref<16x128xf32, #tpu.memory_space<hbm>>) target(%dma_start3A_740 : memref<16x128xf32, #tpu.memory_space<vmem>>) target_semaphore(%dma_start3A_736 : memref<!tpu.dma_semaphore, #tpu.memory_space<semaphore_mem>>)
    %slice3A_743 = vector.extract_strided_slice %get3A_720 {offsets = [0], sizes = [1], strides = [1]} : vector<16xi32> to vector<1xi32>
    %squeeze3A_744 = vector.extract %slice3A_743[0] : i32 from vector<1xi32>
    %and3A_745 = arith.constant -128 : i32
    %and3A_746 = arith.andi %squeeze3A_744, %and3A_745 : i32
    %multiple_of3A_747 = tpu.assume_multiple %and3A_746, 128 : i32
    %dma_start3A_748 = arith.constant 4 : i32
    %dma_start3A_749 = arith.constant 0 : i32
    %dma_start3A_750 = arith.constant 4 : i32
    %dma_start3A_751 = arith.constant 0 : i32
    %dma_start3A_752 = arith.constant 0 : i32
    %dma_start3A_753 = tpu.memref_slice %arg10[%dma_start3A_748, %dma_start3A_749, %dma_start3A_751, %dma_start3A_752] : memref<6x4x16x128xf32, #tpu.memory_space<vmem>> -> memref<1x1x16x128xf32, #tpu.memory_space<vmem>>
    %dma_start3A_754 = tpu.memref_squeeze %dma_start3A_753 : memref<1x1x16x128xf32, #tpu.memory_space<vmem>> -> memref<16x128xf32, #tpu.memory_space<vmem>>
    %dma_start3A_755 = arith.constant 0 : i32
    %dma_start3A_756 = tpu.memref_slice %arg5[%dma_start3A_755, %multiple_of3A_747] : memref<16x1000000xf32, #tpu.memory_space<hbm>> -> memref<16x128xf32, #tpu.memory_space<hbm>>
    %dma_start3A_757 = tpu.memref_slice %arg14[%dma_start3A_750] : memref<6x!tpu.dma_semaphore, #tpu.memory_space<semaphore_mem>> -> memref<1x!tpu.dma_semaphore, #tpu.memory_space<semaphore_mem>>
    %dma_start3A_758 = tpu.memref_squeeze %dma_start3A_757 : memref<1x!tpu.dma_semaphore, #tpu.memory_space<semaphore_mem>> -> memref<!tpu.dma_semaphore, #tpu.memory_space<semaphore_mem>>
    %dma_start3A_759 = arith.constant 0 : i32
    %dma_start3A_760 = arith.constant 0 : i32
    %dma_start3A_761 = tpu.memref_slice %arg10[%dma_start3A_748, %dma_start3A_749, %dma_start3A_759, %dma_start3A_760] : memref<6x4x16x128xf32, #tpu.memory_space<vmem>> -> memref<1x1x16x128xf32, #tpu.memory_space<vmem>>
    %dma_start3A_762 = tpu.memref_squeeze %dma_start3A_761 : memref<1x1x16x128xf32, #tpu.memory_space<vmem>> -> memref<16x128xf32, #tpu.memory_space<vmem>>
    %dma_start3A_763 = arith.constant 0 : i32
    %dma_start3A_764 = tpu.memref_slice %arg5[%dma_start3A_763, %multiple_of3A_747] : memref<16x1000000xf32, #tpu.memory_space<hbm>> -> memref<16x128xf32, #tpu.memory_space<hbm>>
    tpu.enqueue_dma source(%dma_start3A_764 : memref<16x128xf32, #tpu.memory_space<hbm>>) target(%dma_start3A_762 : memref<16x128xf32, #tpu.memory_space<vmem>>) target_semaphore(%dma_start3A_758 : memref<!tpu.dma_semaphore, #tpu.memory_space<semaphore_mem>>)
    %slice3A_765 = vector.extract_strided_slice %get3A_718 {offsets = [1], sizes = [1], strides = [1]} : vector<16xi32> to vector<1xi32>
    %squeeze3A_766 = vector.extract %slice3A_765[0] : i32 from vector<1xi32>
    %and3A_767 = arith.constant -128 : i32
    %and3A_768 = arith.andi %squeeze3A_766, %and3A_767 : i32
    %multiple_of3A_769 = tpu.assume_multiple %and3A_768, 128 : i32
    %dma_start3A_770 = arith.constant 4 : i32
    %dma_start3A_771 = arith.constant 1 : i32
    %dma_start3A_772 = arith.constant 4 : i32
    %dma_start3A_773 = arith.constant 0 : i32
    %dma_start3A_774 = arith.constant 0 : i32
    %dma_start3A_775 = tpu.memref_slice %arg9[%dma_start3A_770, %dma_start3A_771, %dma_start3A_773, %dma_start3A_774] : memref<6x4x16x128xf32, #tpu.memory_space<vmem>> -> memref<1x1x16x128xf32, #tpu.memory_space<vmem>>
    %dma_start3A_776 = tpu.memref_squeeze %dma_start3A_775 : memref<1x1x16x128xf32, #tpu.memory_space<vmem>> -> memref<16x128xf32, #tpu.memory_space<vmem>>
    %dma_start3A_777 = arith.constant 0 : i32
    %dma_start3A_778 = tpu.memref_slice %arg4[%dma_start3A_777, %multiple_of3A_769] : memref<16x1000000xf32, #tpu.memory_space<hbm>> -> memref<16x128xf32, #tpu.memory_space<hbm>>
    %dma_start3A_779 = tpu.memref_slice %arg13[%dma_start3A_772] : memref<6x!tpu.dma_semaphore, #tpu.memory_space<semaphore_mem>> -> memref<1x!tpu.dma_semaphore, #tpu.memory_space<semaphore_mem>>
    %dma_start3A_780 = tpu.memref_squeeze %dma_start3A_779 : memref<1x!tpu.dma_semaphore, #tpu.memory_space<semaphore_mem>> -> memref<!tpu.dma_semaphore, #tpu.memory_space<semaphore_mem>>
    %dma_start3A_781 = arith.constant 0 : i32
    %dma_start3A_782 = arith.constant 0 : i32
    %dma_start3A_783 = tpu.memref_slice %arg9[%dma_start3A_770, %dma_start3A_771, %dma_start3A_781, %dma_start3A_782] : memref<6x4x16x128xf32, #tpu.memory_space<vmem>> -> memref<1x1x16x128xf32, #tpu.memory_space<vmem>>
    %dma_start3A_784 = tpu.memref_squeeze %dma_start3A_783 : memref<1x1x16x128xf32, #tpu.memory_space<vmem>> -> memref<16x128xf32, #tpu.memory_space<vmem>>
    %dma_start3A_785 = arith.constant 0 : i32
    %dma_start3A_786 = tpu.memref_slice %arg4[%dma_start3A_785, %multiple_of3A_769] : memref<16x1000000xf32, #tpu.memory_space<hbm>> -> memref<16x128xf32, #tpu.memory_space<hbm>>
    tpu.enqueue_dma source(%dma_start3A_786 : memref<16x128xf32, #tpu.memory_space<hbm>>) target(%dma_start3A_784 : memref<16x128xf32, #tpu.memory_space<vmem>>) target_semaphore(%dma_start3A_780 : memref<!tpu.dma_semaphore, #tpu.memory_space<semaphore_mem>>)
    %slice3A_787 = vector.extract_strided_slice %get3A_720 {offsets = [1], sizes = [1], strides = [1]} : vector<16xi32> to vector<1xi32>
    %squeeze3A_788 = vector.extract %slice3A_787[0] : i32 from vector<1xi32>
    %and3A_789 = arith.constant -128 : i32
    %and3A_790 = arith.andi %squeeze3A_788, %and3A_789 : i32
    %multiple_of3A_791 = tpu.assume_multiple %and3A_790, 128 : i32
    %dma_start3A_792 = arith.constant 4 : i32
    %dma_start3A_793 = arith.constant 1 : i32
    %dma_start3A_794 = arith.constant 4 : i32
    %dma_start3A_795 = arith.constant 0 : i32
    %dma_start3A_796 = arith.constant 0 : i32
    %dma_start3A_797 = tpu.memref_slice %arg10[%dma_start3A_792, %dma_start3A_793, %dma_start3A_795, %dma_start3A_796] : memref<6x4x16x128xf32, #tpu.memory_space<vmem>> -> memref<1x1x16x128xf32, #tpu.memory_space<vmem>>
    %dma_start3A_798 = tpu.memref_squeeze %dma_start3A_797 : memref<1x1x16x128xf32, #tpu.memory_space<vmem>> -> memref<16x128xf32, #tpu.memory_space<vmem>>
    %dma_start3A_799 = arith.constant 0 : i32
    %dma_start3A_800 = tpu.memref_slice %arg5[%dma_start3A_799, %multiple_of3A_791] : memref<16x1000000xf32, #tpu.memory_space<hbm>> -> memref<16x128xf32, #tpu.memory_space<hbm>>
    %dma_start3A_801 = tpu.memref_slice %arg14[%dma_start3A_794] : memref<6x!tpu.dma_semaphore, #tpu.memory_space<semaphore_mem>> -> memref<1x!tpu.dma_semaphore, #tpu.memory_space<semaphore_mem>>
    %dma_start3A_802 = tpu.memref_squeeze %dma_start3A_801 : memref<1x!tpu.dma_semaphore, #tpu.memory_space<semaphore_mem>> -> memref<!tpu.dma_semaphore, #tpu.memory_space<semaphore_mem>>
    %dma_start3A_803 = arith.constant 0 : i32
    %dma_start3A_804 = arith.constant 0 : i32
    %dma_start3A_805 = tpu.memref_slice %arg10[%dma_start3A_792, %dma_start3A_793, %dma_start3A_803, %dma_start3A_804] : memref<6x4x16x128xf32, #tpu.memory_space<vmem>> -> memref<1x1x16x128xf32, #tpu.memory_space<vmem>>
    %dma_start3A_806 = tpu.memref_squeeze %dma_start3A_805 : memref<1x1x16x128xf32, #tpu.memory_space<vmem>> -> memref<16x128xf32, #tpu.memory_space<vmem>>
    %dma_start3A_807 = arith.constant 0 : i32
    %dma_start3A_808 = tpu.memref_slice %arg5[%dma_start3A_807, %multiple_of3A_791] : memref<16x1000000xf32, #tpu.memory_space<hbm>> -> memref<16x128xf32, #tpu.memory_space<hbm>>
    tpu.enqueue_dma source(%dma_start3A_808 : memref<16x128xf32, #tpu.memory_space<hbm>>) target(%dma_start3A_806 : memref<16x128xf32, #tpu.memory_space<vmem>>) target_semaphore(%dma_start3A_802 : memref<!tpu.dma_semaphore, #tpu.memory_space<semaphore_mem>>)
    %slice3A_809 = vector.extract_strided_slice %get3A_718 {offsets = [2], sizes = [1], strides = [1]} : vector<16xi32> to vector<1xi32>
    %squeeze3A_810 = vector.extract %slice3A_809[0] : i32 from vector<1xi32>
    %and3A_811 = arith.constant -128 : i32
    %and3A_812 = arith.andi %squeeze3A_810, %and3A_811 : i32
    %multiple_of3A_813 = tpu.assume_multiple %and3A_812, 128 : i32
    %dma_start3A_814 = arith.constant 4 : i32
    %dma_start3A_815 = arith.constant 2 : i32
    %dma_start3A_816 = arith.constant 4 : i32
    %dma_start3A_817 = arith.constant 0 : i32
    %dma_start3A_818 = arith.constant 0 : i32
    %dma_start3A_819 = tpu.memref_slice %arg9[%dma_start3A_814, %dma_start3A_815, %dma_start3A_817, %dma_start3A_818] : memref<6x4x16x128xf32, #tpu.memory_space<vmem>> -> memref<1x1x16x128xf32, #tpu.memory_space<vmem>>
    %dma_start3A_820 = tpu.memref_squeeze %dma_start3A_819 : memref<1x1x16x128xf32, #tpu.memory_space<vmem>> -> memref<16x128xf32, #tpu.memory_space<vmem>>
    %dma_start3A_821 = arith.constant 0 : i32
    %dma_start3A_822 = tpu.memref_slice %arg4[%dma_start3A_821, %multiple_of3A_813] : memref<16x1000000xf32, #tpu.memory_space<hbm>> -> memref<16x128xf32, #tpu.memory_space<hbm>>
    %dma_start3A_823 = tpu.memref_slice %arg13[%dma_start3A_816] : memref<6x!tpu.dma_semaphore, #tpu.memory_space<semaphore_mem>> -> memref<1x!tpu.dma_semaphore, #tpu.memory_space<semaphore_mem>>
    %dma_start3A_824 = tpu.memref_squeeze %dma_start3A_823 : memref<1x!tpu.dma_semaphore, #tpu.memory_space<semaphore_mem>> -> memref<!tpu.dma_semaphore, #tpu.memory_space<semaphore_mem>>
    %dma_start3A_825 = arith.constant 0 : i32
    %dma_start3A_826 = arith.constant 0 : i32
    %dma_start3A_827 = tpu.memref_slice %arg9[%dma_start3A_814, %dma_start3A_815, %dma_start3A_825, %dma_start3A_826] : memref<6x4x16x128xf32, #tpu.memory_space<vmem>> -> memref<1x1x16x128xf32, #tpu.memory_space<vmem>>
    %dma_start3A_828 = tpu.memref_squeeze %dma_start3A_827 : memref<1x1x16x128xf32, #tpu.memory_space<vmem>> -> memref<16x128xf32, #tpu.memory_space<vmem>>
    %dma_start3A_829 = arith.constant 0 : i32
    %dma_start3A_830 = tpu.memref_slice %arg4[%dma_start3A_829, %multiple_of3A_813] : memref<16x1000000xf32, #tpu.memory_space<hbm>> -> memref<16x128xf32, #tpu.memory_space<hbm>>
    tpu.enqueue_dma source(%dma_start3A_830 : memref<16x128xf32, #tpu.memory_space<hbm>>) target(%dma_start3A_828 : memref<16x128xf32, #tpu.memory_space<vmem>>) target_semaphore(%dma_start3A_824 : memref<!tpu.dma_semaphore, #tpu.memory_space<semaphore_mem>>)
    %slice3A_831 = vector.extract_strided_slice %get3A_720 {offsets = [2], sizes = [1], strides = [1]} : vector<16xi32> to vector<1xi32>
    %squeeze3A_832 = vector.extract %slice3A_831[0] : i32 from vector<1xi32>
    %and3A_833 = arith.constant -128 : i32
    %and3A_834 = arith.andi %squeeze3A_832, %and3A_833 : i32
    %multiple_of3A_835 = tpu.assume_multiple %and3A_834, 128 : i32
    %dma_start3A_836 = arith.constant 4 : i32
    %dma_start3A_837 = arith.constant 2 : i32
    %dma_start3A_838 = arith.constant 4 : i32
    %dma_start3A_839 = arith.constant 0 : i32
    %dma_start3A_840 = arith.constant 0 : i32
    %dma_start3A_841 = tpu.memref_slice %arg10[%dma_start3A_836, %dma_start3A_837, %dma_start3A_839, %dma_start3A_840] : memref<6x4x16x128xf32, #tpu.memory_space<vmem>> -> memref<1x1x16x128xf32, #tpu.memory_space<vmem>>
    %dma_start3A_842 = tpu.memref_squeeze %dma_start3A_841 : memref<1x1x16x128xf32, #tpu.memory_space<vmem>> -> memref<16x128xf32, #tpu.memory_space<vmem>>
    %dma_start3A_843 = arith.constant 0 : i32
    %dma_start3A_844 = tpu.memref_slice %arg5[%dma_start3A_843, %multiple_of3A_835] : memref<16x1000000xf32, #tpu.memory_space<hbm>> -> memref<16x128xf32, #tpu.memory_space<hbm>>
    %dma_start3A_845 = tpu.memref_slice %arg14[%dma_start3A_838] : memref<6x!tpu.dma_semaphore, #tpu.memory_space<semaphore_mem>> -> memref<1x!tpu.dma_semaphore, #tpu.memory_space<semaphore_mem>>
    %dma_start3A_846 = tpu.memref_squeeze %dma_start3A_845 : memref<1x!tpu.dma_semaphore, #tpu.memory_space<semaphore_mem>> -> memref<!tpu.dma_semaphore, #tpu.memory_space<semaphore_mem>>
    %dma_start3A_847 = arith.constant 0 : i32
    %dma_start3A_848 = arith.constant 0 : i32
    %dma_start3A_849 = tpu.memref_slice %arg10[%dma_start3A_836, %dma_start3A_837, %dma_start3A_847, %dma_start3A_848] : memref<6x4x16x128xf32, #tpu.memory_space<vmem>> -> memref<1x1x16x128xf32, #tpu.memory_space<vmem>>
    %dma_start3A_850 = tpu.memref_squeeze %dma_start3A_849 : memref<1x1x16x128xf32, #tpu.memory_space<vmem>> -> memref<16x128xf32, #tpu.memory_space<vmem>>
    %dma_start3A_851 = arith.constant 0 : i32
    %dma_start3A_852 = tpu.memref_slice %arg5[%dma_start3A_851, %multiple_of3A_835] : memref<16x1000000xf32, #tpu.memory_space<hbm>> -> memref<16x128xf32, #tpu.memory_space<hbm>>
    tpu.enqueue_dma source(%dma_start3A_852 : memref<16x128xf32, #tpu.memory_space<hbm>>) target(%dma_start3A_850 : memref<16x128xf32, #tpu.memory_space<vmem>>) target_semaphore(%dma_start3A_846 : memref<!tpu.dma_semaphore, #tpu.memory_space<semaphore_mem>>)
    %slice3A_853 = vector.extract_strided_slice %get3A_718 {offsets = [3], sizes = [1], strides = [1]} : vector<16xi32> to vector<1xi32>
    %squeeze3A_854 = vector.extract %slice3A_853[0] : i32 from vector<1xi32>
    %and3A_855 = arith.constant -128 : i32
    %and3A_856 = arith.andi %squeeze3A_854, %and3A_855 : i32
    %multiple_of3A_857 = tpu.assume_multiple %and3A_856, 128 : i32
    %dma_start3A_858 = arith.constant 4 : i32
    %dma_start3A_859 = arith.constant 3 : i32
    %dma_start3A_860 = arith.constant 4 : i32
    %dma_start3A_861 = arith.constant 0 : i32
    %dma_start3A_862 = arith.constant 0 : i32
    %dma_start3A_863 = tpu.memref_slice %arg9[%dma_start3A_858, %dma_start3A_859, %dma_start3A_861, %dma_start3A_862] : memref<6x4x16x128xf32, #tpu.memory_space<vmem>> -> memref<1x1x16x128xf32, #tpu.memory_space<vmem>>
    %dma_start3A_864 = tpu.memref_squeeze %dma_start3A_863 : memref<1x1x16x128xf32, #tpu.memory_space<vmem>> -> memref<16x128xf32, #tpu.memory_space<vmem>>
    %dma_start3A_865 = arith.constant 0 : i32
    %dma_start3A_866 = tpu.memref_slice %arg4[%dma_start3A_865, %multiple_of3A_857] : memref<16x1000000xf32, #tpu.memory_space<hbm>> -> memref<16x128xf32, #tpu.memory_space<hbm>>
    %dma_start3A_867 = tpu.memref_slice %arg13[%dma_start3A_860] : memref<6x!tpu.dma_semaphore, #tpu.memory_space<semaphore_mem>> -> memref<1x!tpu.dma_semaphore, #tpu.memory_space<semaphore_mem>>
    %dma_start3A_868 = tpu.memref_squeeze %dma_start3A_867 : memref<1x!tpu.dma_semaphore, #tpu.memory_space<semaphore_mem>> -> memref<!tpu.dma_semaphore, #tpu.memory_space<semaphore_mem>>
    %dma_start3A_869 = arith.constant 0 : i32
    %dma_start3A_870 = arith.constant 0 : i32
    %dma_start3A_871 = tpu.memref_slice %arg9[%dma_start3A_858, %dma_start3A_859, %dma_start3A_869, %dma_start3A_870] : memref<6x4x16x128xf32, #tpu.memory_space<vmem>> -> memref<1x1x16x128xf32, #tpu.memory_space<vmem>>
    %dma_start3A_872 = tpu.memref_squeeze %dma_start3A_871 : memref<1x1x16x128xf32, #tpu.memory_space<vmem>> -> memref<16x128xf32, #tpu.memory_space<vmem>>
    %dma_start3A_873 = arith.constant 0 : i32
    %dma_start3A_874 = tpu.memref_slice %arg4[%dma_start3A_873, %multiple_of3A_857] : memref<16x1000000xf32, #tpu.memory_space<hbm>> -> memref<16x128xf32, #tpu.memory_space<hbm>>
    tpu.enqueue_dma source(%dma_start3A_874 : memref<16x128xf32, #tpu.memory_space<hbm>>) target(%dma_start3A_872 : memref<16x128xf32, #tpu.memory_space<vmem>>) target_semaphore(%dma_start3A_868 : memref<!tpu.dma_semaphore, #tpu.memory_space<semaphore_mem>>)
    %slice3A_875 = vector.extract_strided_slice %get3A_720 {offsets = [3], sizes = [1], strides = [1]} : vector<16xi32> to vector<1xi32>
    %squeeze3A_876 = vector.extract %slice3A_875[0] : i32 from vector<1xi32>
    %and3A_877 = arith.constant -128 : i32
    %and3A_878 = arith.andi %squeeze3A_876, %and3A_877 : i32
    %multiple_of3A_879 = tpu.assume_multiple %and3A_878, 128 : i32
    %dma_start3A_880 = arith.constant 4 : i32
    %dma_start3A_881 = arith.constant 3 : i32
    %dma_start3A_882 = arith.constant 4 : i32
    %dma_start3A_883 = arith.constant 0 : i32
    %dma_start3A_884 = arith.constant 0 : i32
    %dma_start3A_885 = tpu.memref_slice %arg10[%dma_start3A_880, %dma_start3A_881, %dma_start3A_883, %dma_start3A_884] : memref<6x4x16x128xf32, #tpu.memory_space<vmem>> -> memref<1x1x16x128xf32, #tpu.memory_space<vmem>>
    %dma_start3A_886 = tpu.memref_squeeze %dma_start3A_885 : memref<1x1x16x128xf32, #tpu.memory_space<vmem>> -> memref<16x128xf32, #tpu.memory_space<vmem>>
    %dma_start3A_887 = arith.constant 0 : i32
    %dma_start3A_888 = tpu.memref_slice %arg5[%dma_start3A_887, %multiple_of3A_879] : memref<16x1000000xf32, #tpu.memory_space<hbm>> -> memref<16x128xf32, #tpu.memory_space<hbm>>
    %dma_start3A_889 = tpu.memref_slice %arg14[%dma_start3A_882] : memref<6x!tpu.dma_semaphore, #tpu.memory_space<semaphore_mem>> -> memref<1x!tpu.dma_semaphore, #tpu.memory_space<semaphore_mem>>
    %dma_start3A_890 = tpu.memref_squeeze %dma_start3A_889 : memref<1x!tpu.dma_semaphore, #tpu.memory_space<semaphore_mem>> -> memref<!tpu.dma_semaphore, #tpu.memory_space<semaphore_mem>>
    %dma_start3A_891 = arith.constant 0 : i32
    %dma_start3A_892 = arith.constant 0 : i32
    %dma_start3A_893 = tpu.memref_slice %arg10[%dma_start3A_880, %dma_start3A_881, %dma_start3A_891, %dma_start3A_892] : memref<6x4x16x128xf32, #tpu.memory_space<vmem>> -> memref<1x1x16x128xf32, #tpu.memory_space<vmem>>
    %dma_start3A_894 = tpu.memref_squeeze %dma_start3A_893 : memref<1x1x16x128xf32, #tpu.memory_space<vmem>> -> memref<16x128xf32, #tpu.memory_space<vmem>>
    %dma_start3A_895 = arith.constant 0 : i32
    %dma_start3A_896 = tpu.memref_slice %arg5[%dma_start3A_895, %multiple_of3A_879] : memref<16x1000000xf32, #tpu.memory_space<hbm>> -> memref<16x128xf32, #tpu.memory_space<hbm>>
    tpu.enqueue_dma source(%dma_start3A_896 : memref<16x128xf32, #tpu.memory_space<hbm>>) target(%dma_start3A_894 : memref<16x128xf32, #tpu.memory_space<vmem>>) target_semaphore(%dma_start3A_890 : memref<!tpu.dma_semaphore, #tpu.memory_space<semaphore_mem>>)
    %scan3A = arith.constant 0 : i32
    %scan3A_897 = arith.constant 0 : i32
    %scan3A_898 = arith.constant 128 : i32
    %scan3A_899 = arith.addi %scan3A_897, %scan3A_898 : i32
    %scan3A_900 = arith.constant 1 : i32
    scf.for %scan3A_902 = %scan3A_897 to %scan3A_899 step %scan3A_900  : i32 {
      %rem3A = arith.constant 6 : i32
      %rem3A_903 = arith.remsi %scan3A_902, %rem3A : i32
      %add3A_904 = arith.constant 5 : i32
      %add3A_905 = arith.addi %scan3A_902, %add3A_904 : i32
      %lt3A = arith.constant 128 : i32
      %lt3A_906 = arith.cmpi slt, %add3A_905, %lt3A : i32
      %convert_element_type3A = arith.extui %lt3A_906 : i1 to i32
      %cond3A = arith.constant 0 : i32
      %cond3A_907 = arith.cmpi ne, %convert_element_type3A, %cond3A : i32
      scf.if %cond3A_907 {
        %add3A_1127 = arith.constant 5 : i32
        %add3A_1128 = arith.addi %scan3A_902, %add3A_1127 : i32
        %add3A_1129 = arith.constant 5 : i32
        %add3A_1130 = arith.addi %scan3A_902, %add3A_1129 : i32
        %rem3A_1131 = arith.constant 6 : i32
        %rem3A_1132 = arith.remsi %add3A_1130, %rem3A_1131 : i32
        %mul3A_1133 = arith.constant 4 : i32
        %mul3A_1134 = arith.muli %add3A_1128, %mul3A_1133 : i32
        %get3A_1135 = arith.index_cast %mul3A_1134 : i32 to index
        %get3A_1136 = tpu.vector_load %arg7[%get3A_1135] {strides = array<i32>} : memref<528xi32, #tpu.memory_space<vmem>>, vector<16xi32>,
        %mul3A_1137 = arith.constant 4 : i32
        %mul3A_1138 = arith.muli %add3A_1128, %mul3A_1137 : i32
        %get3A_1139 = arith.index_cast %mul3A_1138 : i32 to index
        %get3A_1140 = tpu.vector_load %arg8[%get3A_1139] {strides = array<i32>} : memref<528xi32, #tpu.memory_space<vmem>>, vector<16xi32>,
        %slice3A_1141 = vector.extract_strided_slice %get3A_1136 {offsets = [0], sizes = [1], strides = [1]} : vector<16xi32> to vector<1xi32>
        %squeeze3A_1142 = vector.extract %slice3A_1141[0] : i32 from vector<1xi32>
        %and3A_1143 = arith.constant -128 : i32
        %and3A_1144 = arith.andi %squeeze3A_1142, %and3A_1143 : i32
        %multiple_of3A_1145 = tpu.assume_multiple %and3A_1144, 128 : i32
        %dma_start3A_1146 = arith.constant 0 : i32
        %dma_start3A_1147 = arith.constant 0 : i32
        %dma_start3A_1148 = arith.constant 0 : i32
        %dma_start3A_1149 = tpu.memref_slice %arg9[%rem3A_1132, %dma_start3A_1146, %dma_start3A_1147, %dma_start3A_1148] : memref<6x4x16x128xf32, #tpu.memory_space<vmem>> -> memref<1x1x16x128xf32, #tpu.memory_space<vmem>>
        %dma_start3A_1150 = tpu.memref_squeeze %dma_start3A_1149 : memref<1x1x16x128xf32, #tpu.memory_space<vmem>> -> memref<16x128xf32, #tpu.memory_space<vmem>>
        %dma_start3A_1151 = arith.constant 0 : i32
        %dma_start3A_1152 = tpu.memref_slice %arg4[%dma_start3A_1151, %multiple_of3A_1145] : memref<16x1000000xf32, #tpu.memory_space<hbm>> -> memref<16x128xf32, #tpu.memory_space<hbm>>
        %dma_start3A_1153 = tpu.memref_slice %arg13[%rem3A_1132] : memref<6x!tpu.dma_semaphore, #tpu.memory_space<semaphore_mem>> -> memref<1x!tpu.dma_semaphore, #tpu.memory_space<semaphore_mem>>
        %dma_start3A_1154 = tpu.memref_squeeze %dma_start3A_1153 : memref<1x!tpu.dma_semaphore, #tpu.memory_space<semaphore_mem>> -> memref<!tpu.dma_semaphore, #tpu.memory_space<semaphore_mem>>
        %dma_start3A_1155 = arith.constant 0 : i32
        %dma_start3A_1156 = arith.constant 0 : i32
        %dma_start3A_1157 = tpu.memref_slice %arg9[%rem3A_1132, %dma_start3A_1146, %dma_start3A_1155, %dma_start3A_1156] : memref<6x4x16x128xf32, #tpu.memory_space<vmem>> -> memref<1x1x16x128xf32, #tpu.memory_space<vmem>>
        %dma_start3A_1158 = tpu.memref_squeeze %dma_start3A_1157 : memref<1x1x16x128xf32, #tpu.memory_space<vmem>> -> memref<16x128xf32, #tpu.memory_space<vmem>>
        %dma_start3A_1159 = arith.constant 0 : i32
        %dma_start3A_1160 = tpu.memref_slice %arg4[%dma_start3A_1159, %multiple_of3A_1145] : memref<16x1000000xf32, #tpu.memory_space<hbm>> -> memref<16x128xf32, #tpu.memory_space<hbm>>
        tpu.enqueue_dma source(%dma_start3A_1160 : memref<16x128xf32, #tpu.memory_space<hbm>>) target(%dma_start3A_1158 : memref<16x128xf32, #tpu.memory_space<vmem>>) target_semaphore(%dma_start3A_1154 : memref<!tpu.dma_semaphore, #tpu.memory_space<semaphore_mem>>)
        %slice3A_1161 = vector.extract_strided_slice %get3A_1140 {offsets = [0], sizes = [1], strides = [1]} : vector<16xi32> to vector<1xi32>
        %squeeze3A_1162 = vector.extract %slice3A_1161[0] : i32 from vector<1xi32>
        %and3A_1163 = arith.constant -128 : i32
        %and3A_1164 = arith.andi %squeeze3A_1162, %and3A_1163 : i32
        %multiple_of3A_1165 = tpu.assume_multiple %and3A_1164, 128 : i32
        %dma_start3A_1166 = arith.constant 0 : i32
        %dma_start3A_1167 = arith.constant 0 : i32
        %dma_start3A_1168 = arith.constant 0 : i32
        %dma_start3A_1169 = tpu.memref_slice %arg10[%rem3A_1132, %dma_start3A_1166, %dma_start3A_1167, %dma_start3A_1168] : memref<6x4x16x128xf32, #tpu.memory_space<vmem>> -> memref<1x1x16x128xf32, #tpu.memory_space<vmem>>
        %dma_start3A_1170 = tpu.memref_squeeze %dma_start3A_1169 : memref<1x1x16x128xf32, #tpu.memory_space<vmem>> -> memref<16x128xf32, #tpu.memory_space<vmem>>
        %dma_start3A_1171 = arith.constant 0 : i32
        %dma_start3A_1172 = tpu.memref_slice %arg5[%dma_start3A_1171, %multiple_of3A_1165] : memref<16x1000000xf32, #tpu.memory_space<hbm>> -> memref<16x128xf32, #tpu.memory_space<hbm>>
        %dma_start3A_1173 = tpu.memref_slice %arg14[%rem3A_1132] : memref<6x!tpu.dma_semaphore, #tpu.memory_space<semaphore_mem>> -> memref<1x!tpu.dma_semaphore, #tpu.memory_space<semaphore_mem>>
        %dma_start3A_1174 = tpu.memref_squeeze %dma_start3A_1173 : memref<1x!tpu.dma_semaphore, #tpu.memory_space<semaphore_mem>> -> memref<!tpu.dma_semaphore, #tpu.memory_space<semaphore_mem>>
        %dma_start3A_1175 = arith.constant 0 : i32
        %dma_start3A_1176 = arith.constant 0 : i32
        %dma_start3A_1177 = tpu.memref_slice %arg10[%rem3A_1132, %dma_start3A_1166, %dma_start3A_1175, %dma_start3A_1176] : memref<6x4x16x128xf32, #tpu.memory_space<vmem>> -> memref<1x1x16x128xf32, #tpu.memory_space<vmem>>
        %dma_start3A_1178 = tpu.memref_squeeze %dma_start3A_1177 : memref<1x1x16x128xf32, #tpu.memory_space<vmem>> -> memref<16x128xf32, #tpu.memory_space<vmem>>
        %dma_start3A_1179 = arith.constant 0 : i32
        %dma_start3A_1180 = tpu.memref_slice %arg5[%dma_start3A_1179, %multiple_of3A_1165] : memref<16x1000000xf32, #tpu.memory_space<hbm>> -> memref<16x128xf32, #tpu.memory_space<hbm>>
        tpu.enqueue_dma source(%dma_start3A_1180 : memref<16x128xf32, #tpu.memory_space<hbm>>) target(%dma_start3A_1178 : memref<16x128xf32, #tpu.memory_space<vmem>>) target_semaphore(%dma_start3A_1174 : memref<!tpu.dma_semaphore, #tpu.memory_space<semaphore_mem>>)
        %slice3A_1181 = vector.extract_strided_slice %get3A_1136 {offsets = [1], sizes = [1], strides = [1]} : vector<16xi32> to vector<1xi32>
        %squeeze3A_1182 = vector.extract %slice3A_1181[0] : i32 from vector<1xi32>
        %and3A_1183 = arith.constant -128 : i32
        %and3A_1184 = arith.andi %squeeze3A_1182, %and3A_1183 : i32
        %multiple_of3A_1185 = tpu.assume_multiple %and3A_1184, 128 : i32
        %dma_start3A_1186 = arith.constant 1 : i32
        %dma_start3A_1187 = arith.constant 0 : i32
        %dma_start3A_1188 = arith.constant 0 : i32
        %dma_start3A_1189 = tpu.memref_slice %arg9[%rem3A_1132, %dma_start3A_1186, %dma_start3A_1187, %dma_start3A_1188] : memref<6x4x16x128xf32, #tpu.memory_space<vmem>> -> memref<1x1x16x128xf32, #tpu.memory_space<vmem>>
        %dma_start3A_1190 = tpu.memref_squeeze %dma_start3A_1189 : memref<1x1x16x128xf32, #tpu.memory_space<vmem>> -> memref<16x128xf32, #tpu.memory_space<vmem>>
        %dma_start3A_1191 = arith.constant 0 : i32
        %dma_start3A_1192 = tpu.memref_slice %arg4[%dma_start3A_1191, %multiple_of3A_1185] : memref<16x1000000xf32, #tpu.memory_space<hbm>> -> memref<16x128xf32, #tpu.memory_space<hbm>>
        %dma_start3A_1193 = tpu.memref_slice %arg13[%rem3A_1132] : memref<6x!tpu.dma_semaphore, #tpu.memory_space<semaphore_mem>> -> memref<1x!tpu.dma_semaphore, #tpu.memory_space<semaphore_mem>>
        %dma_start3A_1194 = tpu.memref_squeeze %dma_start3A_1193 : memref<1x!tpu.dma_semaphore, #tpu.memory_space<semaphore_mem>> -> memref<!tpu.dma_semaphore, #tpu.memory_space<semaphore_mem>>
        %dma_start3A_1195 = arith.constant 0 : i32
        %dma_start3A_1196 = arith.constant 0 : i32
        %dma_start3A_1197 = tpu.memref_slice %arg9[%rem3A_1132, %dma_start3A_1186, %dma_start3A_1195, %dma_start3A_1196] : memref<6x4x16x128xf32, #tpu.memory_space<vmem>> -> memref<1x1x16x128xf32, #tpu.memory_space<vmem>>
        %dma_start3A_1198 = tpu.memref_squeeze %dma_start3A_1197 : memref<1x1x16x128xf32, #tpu.memory_space<vmem>> -> memref<16x128xf32, #tpu.memory_space<vmem>>
        %dma_start3A_1199 = arith.constant 0 : i32
        %dma_start3A_1200 = tpu.memref_slice %arg4[%dma_start3A_1199, %multiple_of3A_1185] : memref<16x1000000xf32, #tpu.memory_space<hbm>> -> memref<16x128xf32, #tpu.memory_space<hbm>>
        tpu.enqueue_dma source(%dma_start3A_1200 : memref<16x128xf32, #tpu.memory_space<hbm>>) target(%dma_start3A_1198 : memref<16x128xf32, #tpu.memory_space<vmem>>) target_semaphore(%dma_start3A_1194 : memref<!tpu.dma_semaphore, #tpu.memory_space<semaphore_mem>>)
        %slice3A_1201 = vector.extract_strided_slice %get3A_1140 {offsets = [1], sizes = [1], strides = [1]} : vector<16xi32> to vector<1xi32>
        %squeeze3A_1202 = vector.extract %slice3A_1201[0] : i32 from vector<1xi32>
        %and3A_1203 = arith.constant -128 : i32
        %and3A_1204 = arith.andi %squeeze3A_1202, %and3A_1203 : i32
        %multiple_of3A_1205 = tpu.assume_multiple %and3A_1204, 128 : i32
        %dma_start3A_1206 = arith.constant 1 : i32
        %dma_start3A_1207 = arith.constant 0 : i32
        %dma_start3A_1208 = arith.constant 0 : i32
        %dma_start3A_1209 = tpu.memref_slice %arg10[%rem3A_1132, %dma_start3A_1206, %dma_start3A_1207, %dma_start3A_1208] : memref<6x4x16x128xf32, #tpu.memory_space<vmem>> -> memref<1x1x16x128xf32, #tpu.memory_space<vmem>>
        %dma_start3A_1210 = tpu.memref_squeeze %dma_start3A_1209 : memref<1x1x16x128xf32, #tpu.memory_space<vmem>> -> memref<16x128xf32, #tpu.memory_space<vmem>>
        %dma_start3A_1211 = arith.constant 0 : i32
        %dma_start3A_1212 = tpu.memref_slice %arg5[%dma_start3A_1211, %multiple_of3A_1205] : memref<16x1000000xf32, #tpu.memory_space<hbm>> -> memref<16x128xf32, #tpu.memory_space<hbm>>
        %dma_start3A_1213 = tpu.memref_slice %arg14[%rem3A_1132] : memref<6x!tpu.dma_semaphore, #tpu.memory_space<semaphore_mem>> -> memref<1x!tpu.dma_semaphore, #tpu.memory_space<semaphore_mem>>
        %dma_start3A_1214 = tpu.memref_squeeze %dma_start3A_1213 : memref<1x!tpu.dma_semaphore, #tpu.memory_space<semaphore_mem>> -> memref<!tpu.dma_semaphore, #tpu.memory_space<semaphore_mem>>
        %dma_start3A_1215 = arith.constant 0 : i32
        %dma_start3A_1216 = arith.constant 0 : i32
        %dma_start3A_1217 = tpu.memref_slice %arg10[%rem3A_1132, %dma_start3A_1206, %dma_start3A_1215, %dma_start3A_1216] : memref<6x4x16x128xf32, #tpu.memory_space<vmem>> -> memref<1x1x16x128xf32, #tpu.memory_space<vmem>>
        %dma_start3A_1218 = tpu.memref_squeeze %dma_start3A_1217 : memref<1x1x16x128xf32, #tpu.memory_space<vmem>> -> memref<16x128xf32, #tpu.memory_space<vmem>>
        %dma_start3A_1219 = arith.constant 0 : i32
        %dma_start3A_1220 = tpu.memref_slice %arg5[%dma_start3A_1219, %multiple_of3A_1205] : memref<16x1000000xf32, #tpu.memory_space<hbm>> -> memref<16x128xf32, #tpu.memory_space<hbm>>
        tpu.enqueue_dma source(%dma_start3A_1220 : memref<16x128xf32, #tpu.memory_space<hbm>>) target(%dma_start3A_1218 : memref<16x128xf32, #tpu.memory_space<vmem>>) target_semaphore(%dma_start3A_1214 : memref<!tpu.dma_semaphore, #tpu.memory_space<semaphore_mem>>)
        %slice3A_1221 = vector.extract_strided_slice %get3A_1136 {offsets = [2], sizes = [1], strides = [1]} : vector<16xi32> to vector<1xi32>
        %squeeze3A_1222 = vector.extract %slice3A_1221[0] : i32 from vector<1xi32>
        %and3A_1223 = arith.constant -128 : i32
        %and3A_1224 = arith.andi %squeeze3A_1222, %and3A_1223 : i32
        %multiple_of3A_1225 = tpu.assume_multiple %and3A_1224, 128 : i32
        %dma_start3A_1226 = arith.constant 2 : i32
        %dma_start3A_1227 = arith.constant 0 : i32
        %dma_start3A_1228 = arith.constant 0 : i32
        %dma_start3A_1229 = tpu.memref_slice %arg9[%rem3A_1132, %dma_start3A_1226, %dma_start3A_1227, %dma_start3A_1228] : memref<6x4x16x128xf32, #tpu.memory_space<vmem>> -> memref<1x1x16x128xf32, #tpu.memory_space<vmem>>
        %dma_start3A_1230 = tpu.memref_squeeze %dma_start3A_1229 : memref<1x1x16x128xf32, #tpu.memory_space<vmem>> -> memref<16x128xf32, #tpu.memory_space<vmem>>
        %dma_start3A_1231 = arith.constant 0 : i32
        %dma_start3A_1232 = tpu.memref_slice %arg4[%dma_start3A_1231, %multiple_of3A_1225] : memref<16x1000000xf32, #tpu.memory_space<hbm>> -> memref<16x128xf32, #tpu.memory_space<hbm>>
        %dma_start3A_1233 = tpu.memref_slice %arg13[%rem3A_1132] : memref<6x!tpu.dma_semaphore, #tpu.memory_space<semaphore_mem>> -> memref<1x!tpu.dma_semaphore, #tpu.memory_space<semaphore_mem>>
        %dma_start3A_1234 = tpu.memref_squeeze %dma_start3A_1233 : memref<1x!tpu.dma_semaphore, #tpu.memory_space<semaphore_mem>> -> memref<!tpu.dma_semaphore, #tpu.memory_space<semaphore_mem>>
        %dma_start3A_1235 = arith.constant 0 : i32
        %dma_start3A_1236 = arith.constant 0 : i32
        %dma_start3A_1237 = tpu.memref_slice %arg9[%rem3A_1132, %dma_start3A_1226, %dma_start3A_1235, %dma_start3A_1236] : memref<6x4x16x128xf32, #tpu.memory_space<vmem>> -> memref<1x1x16x128xf32, #tpu.memory_space<vmem>>
        %dma_start3A_1238 = tpu.memref_squeeze %dma_start3A_1237 : memref<1x1x16x128xf32, #tpu.memory_space<vmem>> -> memref<16x128xf32, #tpu.memory_space<vmem>>
        %dma_start3A_1239 = arith.constant 0 : i32
        %dma_start3A_1240 = tpu.memref_slice %arg4[%dma_start3A_1239, %multiple_of3A_1225] : memref<16x1000000xf32, #tpu.memory_space<hbm>> -> memref<16x128xf32, #tpu.memory_space<hbm>>
        tpu.enqueue_dma source(%dma_start3A_1240 : memref<16x128xf32, #tpu.memory_space<hbm>>) target(%dma_start3A_1238 : memref<16x128xf32, #tpu.memory_space<vmem>>) target_semaphore(%dma_start3A_1234 : memref<!tpu.dma_semaphore, #tpu.memory_space<semaphore_mem>>)
        %slice3A_1241 = vector.extract_strided_slice %get3A_1140 {offsets = [2], sizes = [1], strides = [1]} : vector<16xi32> to vector<1xi32>
        %squeeze3A_1242 = vector.extract %slice3A_1241[0] : i32 from vector<1xi32>
        %and3A_1243 = arith.constant -128 : i32
        %and3A_1244 = arith.andi %squeeze3A_1242, %and3A_1243 : i32
        %multiple_of3A_1245 = tpu.assume_multiple %and3A_1244, 128 : i32
        %dma_start3A_1246 = arith.constant 2 : i32
        %dma_start3A_1247 = arith.constant 0 : i32
        %dma_start3A_1248 = arith.constant 0 : i32
        %dma_start3A_1249 = tpu.memref_slice %arg10[%rem3A_1132, %dma_start3A_1246, %dma_start3A_1247, %dma_start3A_1248] : memref<6x4x16x128xf32, #tpu.memory_space<vmem>> -> memref<1x1x16x128xf32, #tpu.memory_space<vmem>>
        %dma_start3A_1250 = tpu.memref_squeeze %dma_start3A_1249 : memref<1x1x16x128xf32, #tpu.memory_space<vmem>> -> memref<16x128xf32, #tpu.memory_space<vmem>>
        %dma_start3A_1251 = arith.constant 0 : i32
        %dma_start3A_1252 = tpu.memref_slice %arg5[%dma_start3A_1251, %multiple_of3A_1245] : memref<16x1000000xf32, #tpu.memory_space<hbm>> -> memref<16x128xf32, #tpu.memory_space<hbm>>
        %dma_start3A_1253 = tpu.memref_slice %arg14[%rem3A_1132] : memref<6x!tpu.dma_semaphore, #tpu.memory_space<semaphore_mem>> -> memref<1x!tpu.dma_semaphore, #tpu.memory_space<semaphore_mem>>
        %dma_start3A_1254 = tpu.memref_squeeze %dma_start3A_1253 : memref<1x!tpu.dma_semaphore, #tpu.memory_space<semaphore_mem>> -> memref<!tpu.dma_semaphore, #tpu.memory_space<semaphore_mem>>
        %dma_start3A_1255 = arith.constant 0 : i32
        %dma_start3A_1256 = arith.constant 0 : i32
        %dma_start3A_1257 = tpu.memref_slice %arg10[%rem3A_1132, %dma_start3A_1246, %dma_start3A_1255, %dma_start3A_1256] : memref<6x4x16x128xf32, #tpu.memory_space<vmem>> -> memref<1x1x16x128xf32, #tpu.memory_space<vmem>>
        %dma_start3A_1258 = tpu.memref_squeeze %dma_start3A_1257 : memref<1x1x16x128xf32, #tpu.memory_space<vmem>> -> memref<16x128xf32, #tpu.memory_space<vmem>>
        %dma_start3A_1259 = arith.constant 0 : i32
        %dma_start3A_1260 = tpu.memref_slice %arg5[%dma_start3A_1259, %multiple_of3A_1245] : memref<16x1000000xf32, #tpu.memory_space<hbm>> -> memref<16x128xf32, #tpu.memory_space<hbm>>
        tpu.enqueue_dma source(%dma_start3A_1260 : memref<16x128xf32, #tpu.memory_space<hbm>>) target(%dma_start3A_1258 : memref<16x128xf32, #tpu.memory_space<vmem>>) target_semaphore(%dma_start3A_1254 : memref<!tpu.dma_semaphore, #tpu.memory_space<semaphore_mem>>)
        %slice3A_1261 = vector.extract_strided_slice %get3A_1136 {offsets = [3], sizes = [1], strides = [1]} : vector<16xi32> to vector<1xi32>
        %squeeze3A_1262 = vector.extract %slice3A_1261[0] : i32 from vector<1xi32>
        %and3A_1263 = arith.constant -128 : i32
        %and3A_1264 = arith.andi %squeeze3A_1262, %and3A_1263 : i32
        %multiple_of3A_1265 = tpu.assume_multiple %and3A_1264, 128 : i32
        %dma_start3A_1266 = arith.constant 3 : i32
        %dma_start3A_1267 = arith.constant 0 : i32
        %dma_start3A_1268 = arith.constant 0 : i32
        %dma_start3A_1269 = tpu.memref_slice %arg9[%rem3A_1132, %dma_start3A_1266, %dma_start3A_1267, %dma_start3A_1268] : memref<6x4x16x128xf32, #tpu.memory_space<vmem>> -> memref<1x1x16x128xf32, #tpu.memory_space<vmem>>
        %dma_start3A_1270 = tpu.memref_squeeze %dma_start3A_1269 : memref<1x1x16x128xf32, #tpu.memory_space<vmem>> -> memref<16x128xf32, #tpu.memory_space<vmem>>
        %dma_start3A_1271 = arith.constant 0 : i32
        %dma_start3A_1272 = tpu.memref_slice %arg4[%dma_start3A_1271, %multiple_of3A_1265] : memref<16x1000000xf32, #tpu.memory_space<hbm>> -> memref<16x128xf32, #tpu.memory_space<hbm>>
        %dma_start3A_1273 = tpu.memref_slice %arg13[%rem3A_1132] : memref<6x!tpu.dma_semaphore, #tpu.memory_space<semaphore_mem>> -> memref<1x!tpu.dma_semaphore, #tpu.memory_space<semaphore_mem>>
        %dma_start3A_1274 = tpu.memref_squeeze %dma_start3A_1273 : memref<1x!tpu.dma_semaphore, #tpu.memory_space<semaphore_mem>> -> memref<!tpu.dma_semaphore, #tpu.memory_space<semaphore_mem>>
        %dma_start3A_1275 = arith.constant 0 : i32
        %dma_start3A_1276 = arith.constant 0 : i32
        %dma_start3A_1277 = tpu.memref_slice %arg9[%rem3A_1132, %dma_start3A_1266, %dma_start3A_1275, %dma_start3A_1276] : memref<6x4x16x128xf32, #tpu.memory_space<vmem>> -> memref<1x1x16x128xf32, #tpu.memory_space<vmem>>
        %dma_start3A_1278 = tpu.memref_squeeze %dma_start3A_1277 : memref<1x1x16x128xf32, #tpu.memory_space<vmem>> -> memref<16x128xf32, #tpu.memory_space<vmem>>
        %dma_start3A_1279 = arith.constant 0 : i32
        %dma_start3A_1280 = tpu.memref_slice %arg4[%dma_start3A_1279, %multiple_of3A_1265] : memref<16x1000000xf32, #tpu.memory_space<hbm>> -> memref<16x128xf32, #tpu.memory_space<hbm>>
        tpu.enqueue_dma source(%dma_start3A_1280 : memref<16x128xf32, #tpu.memory_space<hbm>>) target(%dma_start3A_1278 : memref<16x128xf32, #tpu.memory_space<vmem>>) target_semaphore(%dma_start3A_1274 : memref<!tpu.dma_semaphore, #tpu.memory_space<semaphore_mem>>)
        %slice3A_1281 = vector.extract_strided_slice %get3A_1140 {offsets = [3], sizes = [1], strides = [1]} : vector<16xi32> to vector<1xi32>
        %squeeze3A_1282 = vector.extract %slice3A_1281[0] : i32 from vector<1xi32>
        %and3A_1283 = arith.constant -128 : i32
        %and3A_1284 = arith.andi %squeeze3A_1282, %and3A_1283 : i32
        %multiple_of3A_1285 = tpu.assume_multiple %and3A_1284, 128 : i32
        %dma_start3A_1286 = arith.constant 3 : i32
        %dma_start3A_1287 = arith.constant 0 : i32
        %dma_start3A_1288 = arith.constant 0 : i32
        %dma_start3A_1289 = tpu.memref_slice %arg10[%rem3A_1132, %dma_start3A_1286, %dma_start3A_1287, %dma_start3A_1288] : memref<6x4x16x128xf32, #tpu.memory_space<vmem>> -> memref<1x1x16x128xf32, #tpu.memory_space<vmem>>
        %dma_start3A_1290 = tpu.memref_squeeze %dma_start3A_1289 : memref<1x1x16x128xf32, #tpu.memory_space<vmem>> -> memref<16x128xf32, #tpu.memory_space<vmem>>
        %dma_start3A_1291 = arith.constant 0 : i32
        %dma_start3A_1292 = tpu.memref_slice %arg5[%dma_start3A_1291, %multiple_of3A_1285] : memref<16x1000000xf32, #tpu.memory_space<hbm>> -> memref<16x128xf32, #tpu.memory_space<hbm>>
        %dma_start3A_1293 = tpu.memref_slice %arg14[%rem3A_1132] : memref<6x!tpu.dma_semaphore, #tpu.memory_space<semaphore_mem>> -> memref<1x!tpu.dma_semaphore, #tpu.memory_space<semaphore_mem>>
        %dma_start3A_1294 = tpu.memref_squeeze %dma_start3A_1293 : memref<1x!tpu.dma_semaphore, #tpu.memory_space<semaphore_mem>> -> memref<!tpu.dma_semaphore, #tpu.memory_space<semaphore_mem>>
        %dma_start3A_1295 = arith.constant 0 : i32
        %dma_start3A_1296 = arith.constant 0 : i32
        %dma_start3A_1297 = tpu.memref_slice %arg10[%rem3A_1132, %dma_start3A_1286, %dma_start3A_1295, %dma_start3A_1296] : memref<6x4x16x128xf32, #tpu.memory_space<vmem>> -> memref<1x1x16x128xf32, #tpu.memory_space<vmem>>
        %dma_start3A_1298 = tpu.memref_squeeze %dma_start3A_1297 : memref<1x1x16x128xf32, #tpu.memory_space<vmem>> -> memref<16x128xf32, #tpu.memory_space<vmem>>
        %dma_start3A_1299 = arith.constant 0 : i32
        %dma_start3A_1300 = tpu.memref_slice %arg5[%dma_start3A_1299, %multiple_of3A_1285] : memref<16x1000000xf32, #tpu.memory_space<hbm>> -> memref<16x128xf32, #tpu.memory_space<hbm>>
        tpu.enqueue_dma source(%dma_start3A_1300 : memref<16x128xf32, #tpu.memory_space<hbm>>) target(%dma_start3A_1298 : memref<16x128xf32, #tpu.memory_space<vmem>>) target_semaphore(%dma_start3A_1294 : memref<!tpu.dma_semaphore, #tpu.memory_space<semaphore_mem>>)
      } else {
      }
      %dma_wait3A = arith.constant 0 : i32
      %dma_wait3A_908 = arith.constant 0 : i32
      %dma_wait3A_909 = arith.constant 0 : i32
      %dma_wait3A_910 = tpu.memref_slice %arg9[%rem3A_903, %dma_wait3A, %dma_wait3A_908, %dma_wait3A_909] : memref<6x4x16x128xf32, #tpu.memory_space<vmem>> -> memref<1x4x16x128xf32, #tpu.memory_space<vmem>>
      %dma_wait3A_911 = tpu.memref_squeeze %dma_wait3A_910 : memref<1x4x16x128xf32, #tpu.memory_space<vmem>> -> memref<4x16x128xf32, #tpu.memory_space<vmem>>
      %dma_wait3A_912 = tpu.memref_slice %arg13[%rem3A_903] : memref<6x!tpu.dma_semaphore, #tpu.memory_space<semaphore_mem>> -> memref<1x!tpu.dma_semaphore, #tpu.memory_space<semaphore_mem>>
      %dma_wait3A_913 = tpu.memref_squeeze %dma_wait3A_912 : memref<1x!tpu.dma_semaphore, #tpu.memory_space<semaphore_mem>> -> memref<!tpu.dma_semaphore, #tpu.memory_space<semaphore_mem>>
      %dma_wait3A_914 = arith.constant 0 : i32
      %dma_wait3A_915 = arith.constant 0 : i32
      %dma_wait3A_916 = arith.constant 0 : i32
      %dma_wait3A_917 = tpu.memref_slice %arg9[%rem3A_903, %dma_wait3A_914, %dma_wait3A_915, %dma_wait3A_916] : memref<6x4x16x128xf32, #tpu.memory_space<vmem>> -> memref<1x4x16x128xf32, #tpu.memory_space<vmem>>
      %dma_wait3A_918 = tpu.memref_squeeze %dma_wait3A_917 : memref<1x4x16x128xf32, #tpu.memory_space<vmem>> -> memref<4x16x128xf32, #tpu.memory_space<vmem>>
      tpu.wait_dma2 semaphore(%dma_wait3A_913 : memref<!tpu.dma_semaphore, #tpu.memory_space<semaphore_mem>>) src(%arg12 : memref<4x16x128xf32, #tpu.memory_space<hbm>>) dst(%dma_wait3A_918 : memref<4x16x128xf32, #tpu.memory_space<vmem>>)
      %dma_wait3A_919 = arith.constant 0 : i32
      %dma_wait3A_920 = arith.constant 0 : i32
      %dma_wait3A_921 = arith.constant 0 : i32
      %dma_wait3A_922 = tpu.memref_slice %arg10[%rem3A_903, %dma_wait3A_919, %dma_wait3A_920, %dma_wait3A_921] : memref<6x4x16x128xf32, #tpu.memory_space<vmem>> -> memref<1x4x16x128xf32, #tpu.memory_space<vmem>>
      %dma_wait3A_923 = tpu.memref_squeeze %dma_wait3A_922 : memref<1x4x16x128xf32, #tpu.memory_space<vmem>> -> memref<4x16x128xf32, #tpu.memory_space<vmem>>
      %dma_wait3A_924 = tpu.memref_slice %arg14[%rem3A_903] : memref<6x!tpu.dma_semaphore, #tpu.memory_space<semaphore_mem>> -> memref<1x!tpu.dma_semaphore, #tpu.memory_space<semaphore_mem>>
      %dma_wait3A_925 = tpu.memref_squeeze %dma_wait3A_924 : memref<1x!tpu.dma_semaphore, #tpu.memory_space<semaphore_mem>> -> memref<!tpu.dma_semaphore, #tpu.memory_space<semaphore_mem>>
      %dma_wait3A_926 = arith.constant 0 : i32
      %dma_wait3A_927 = arith.constant 0 : i32
      %dma_wait3A_928 = arith.constant 0 : i32
      %dma_wait3A_929 = tpu.memref_slice %arg10[%rem3A_903, %dma_wait3A_926, %dma_wait3A_927, %dma_wait3A_928] : memref<6x4x16x128xf32, #tpu.memory_space<vmem>> -> memref<1x4x16x128xf32, #tpu.memory_space<vmem>>
      %dma_wait3A_930 = tpu.memref_squeeze %dma_wait3A_929 : memref<1x4x16x128xf32, #tpu.memory_space<vmem>> -> memref<4x16x128xf32, #tpu.memory_space<vmem>>
      tpu.wait_dma2 semaphore(%dma_wait3A_925 : memref<!tpu.dma_semaphore, #tpu.memory_space<semaphore_mem>>) src(%arg12 : memref<4x16x128xf32, #tpu.memory_space<hbm>>) dst(%dma_wait3A_930 : memref<4x16x128xf32, #tpu.memory_space<vmem>>)
      %jit3A = arith.constant 4 : i32
      %div3A = arith.divsi %scan3A_902, %jit3A : i32
      %sign3A = arith.constant 0 : i32
      %sign3A_931 = arith.cmpi sgt, %scan3A_902, %sign3A : i32
      %sign3A_932 = arith.extui %sign3A_931 : i1 to i32
      %sign3A_933 = arith.constant 0 : i32
      %sign3A_934 = arith.cmpi slt, %scan3A_902, %sign3A_933 : i32
      %sign3A_935 = arith.extui %sign3A_934 : i1 to i32
      %sign3A_936 = arith.subi %sign3A_932, %sign3A_935 : i32
      %sign3A_937 = arith.constant 0 : i32
      %sign3A_938 = arith.cmpi sgt, %jit3A, %sign3A_937 : i32
      %sign3A_939 = arith.extui %sign3A_938 : i1 to i32
      %sign3A_940 = arith.constant 0 : i32
      %sign3A_941 = arith.cmpi slt, %jit3A, %sign3A_940 : i32
      %sign3A_942 = arith.extui %sign3A_941 : i1 to i32
      %sign3A_943 = arith.subi %sign3A_939, %sign3A_942 : i32
      %ne3A = arith.cmpi ne, %sign3A_936, %sign3A_943 : i32
      %rem3A_944 = arith.remsi %scan3A_902, %jit3A : i32
      %ne3A_945 = arith.constant 0 : i32
      %ne3A_946 = arith.cmpi ne, %rem3A_944, %ne3A_945 : i32
      %and3A_947 = arith.andi %ne3A, %ne3A_946 : i1
      %sub3A = arith.constant 1 : i32
      %sub3A_948 = arith.subi %div3A, %sub3A : i32
      %select_n3A = arith.select %and3A_947, %sub3A_948, %div3A : i32
      %mul3A_949 = arith.constant 16 : i32
      %mul3A_950 = arith.muli %select_n3A, %mul3A_949 : i32
      %rem3A_951 = arith.constant 4 : i32
      %rem3A_952 = arith.remsi %scan3A_902, %rem3A_951 : i32
      %mul3A_953 = arith.constant 4 : i32
      %mul3A_954 = arith.muli %rem3A_952, %mul3A_953 : i32
      %mul3A_955 = arith.constant 4 : i32
      %mul3A_956 = arith.muli %scan3A_902, %mul3A_955 : i32
      %get3A_957 = arith.index_cast %mul3A_956 : i32 to index
      %get3A_958 = tpu.vector_load %arg7[%get3A_957] {strides = array<i32>} : memref<528xi32, #tpu.memory_space<vmem>>, vector<16xi32>,
      %mul3A_959 = arith.constant 4 : i32
      %mul3A_960 = arith.muli %scan3A_902, %mul3A_959 : i32
      %get3A_961 = arith.index_cast %mul3A_960 : i32 to index
      %get3A_962 = tpu.vector_load %arg8[%get3A_961] {strides = array<i32>} : memref<528xi32, #tpu.memory_space<vmem>>, vector<16xi32>,
      %broadcast_in_dim3A = arith.constant 0.000000e+00 : f32
      %broadcast_in_dim3A_963 = vector.broadcast %broadcast_in_dim3A : f32 to vector<16xf32>
      %slice3A_964 = vector.extract_strided_slice %get3A_958 {offsets = [0], sizes = [1], strides = [1]} : vector<16xi32> to vector<1xi32>
      %squeeze3A_965 = vector.extract %slice3A_964[0] : i32 from vector<1xi32>
      %and3A_966 = arith.constant 127 : i32
      %and3A_967 = arith.andi %squeeze3A_965, %and3A_966 : i32
      %slice3A_968 = vector.extract_strided_slice %get3A_962 {offsets = [0], sizes = [1], strides = [1]} : vector<16xi32> to vector<1xi32>
      %squeeze3A_969 = vector.extract %slice3A_968[0] : i32 from vector<1xi32>
      %and3A_970 = arith.constant 127 : i32
      %and3A_971 = arith.andi %squeeze3A_969, %and3A_970 : i32
      %broadcast_in_dim3A_972 = arith.constant 0 : i32
      %broadcast_in_dim3A_973 = vector.broadcast %broadcast_in_dim3A_972 : i32 to vector<16xi32>
      %add3A_974 = vector.broadcast %and3A_967 : i32 to vector<16xi32>
      %add3A_975 = arith.addi %broadcast_in_dim3A_973, %add3A_974 : vector<16xi32>
      %gather3A = arith.constant 0 : i32
      %gather3A_976 = arith.constant 0 : i32
      %gather3A_977 = arith.constant 0 : i32
      %gather3A_978 = tpu.memref_slice %arg9[%rem3A_903, %gather3A, %gather3A_976, %gather3A_977] : memref<6x4x16x128xf32, #tpu.memory_space<vmem>> -> memref<1x1x16x128xf32, #tpu.memory_space<vmem>>
      %gather3A_979 = tpu.memref_squeeze %gather3A_978 : memref<1x1x16x128xf32, #tpu.memory_space<vmem>> -> memref<16x128xf32, #tpu.memory_space<vmem>>
      %gather3A_980 = tpu.vector_load_idx %gather3A_979[%iota3A, %add3A_975] : memref<16x128xf32, #tpu.memory_space<vmem>>[vector<16xi32>, vector<16xi32>], vector<16xf32>,
      %broadcast_in_dim3A_981 = arith.constant 0 : i32
      %broadcast_in_dim3A_982 = vector.broadcast %broadcast_in_dim3A_981 : i32 to vector<16xi32>
      %add3A_983 = vector.broadcast %and3A_971 : i32 to vector<16xi32>
      %add3A_984 = arith.addi %broadcast_in_dim3A_982, %add3A_983 : vector<16xi32>
      %gather3A_985 = arith.constant 0 : i32
      %gather3A_986 = arith.constant 0 : i32
      %gather3A_987 = arith.constant 0 : i32
      %gather3A_988 = tpu.memref_slice %arg10[%rem3A_903, %gather3A_985, %gather3A_986, %gather3A_987] : memref<6x4x16x128xf32, #tpu.memory_space<vmem>> -> memref<1x1x16x128xf32, #tpu.memory_space<vmem>>
      %gather3A_989 = tpu.memref_squeeze %gather3A_988 : memref<1x1x16x128xf32, #tpu.memory_space<vmem>> -> memref<16x128xf32, #tpu.memory_space<vmem>>
      %gather3A_990 = tpu.vector_load_idx %gather3A_989[%iota3A, %add3A_984] : memref<16x128xf32, #tpu.memory_space<vmem>>[vector<16xi32>, vector<16xi32>], vector<16xf32>,
      %mul3A_991 = arith.mulf %gather3A_980, %gather3A_990 : vector<16xf32>
      %reduce_sum3A = arith.constant true
      %reduce_sum3A_992 = vector.broadcast %reduce_sum3A : i1 to vector<16xi1>
      %reduce_sum3A_993 = tpu.scan <sum>, %mul3A_991 masked %reduce_sum3A_992 : vector<16xf32>, vector<16xi1> -> vector<16xf32>
      %reduce_sum3A_994 = vector.extract %reduce_sum3A_993[15] : f32 from vector<16xf32>
      %add3A_995 = arith.constant 0 : i32
      %add3A_996 = arith.addi %mul3A_954, %add3A_995 : i32
      %eq3A = vector.broadcast %add3A_996 : i32 to vector<16xi32>
      %eq3A_997 = arith.cmpi eq, %iota3A, %eq3A : vector<16xi32>
      %broadcast_in_dim3A_998 = vector.broadcast %reduce_sum3A_994 : f32 to vector<16xf32>
      %select_n3A_999 = arith.select %eq3A_997, %broadcast_in_dim3A_998, %broadcast_in_dim3A_963 : vector<16xi1>, vector<16xf32>
      %slice3A_1000 = vector.extract_strided_slice %get3A_958 {offsets = [1], sizes = [1], strides = [1]} : vector<16xi32> to vector<1xi32>
      %squeeze3A_1001 = vector.extract %slice3A_1000[0] : i32 from vector<1xi32>
      %and3A_1002 = arith.constant 127 : i32
      %and3A_1003 = arith.andi %squeeze3A_1001, %and3A_1002 : i32
      %slice3A_1004 = vector.extract_strided_slice %get3A_962 {offsets = [1], sizes = [1], strides = [1]} : vector<16xi32> to vector<1xi32>
      %squeeze3A_1005 = vector.extract %slice3A_1004[0] : i32 from vector<1xi32>
      %and3A_1006 = arith.constant 127 : i32
      %and3A_1007 = arith.andi %squeeze3A_1005, %and3A_1006 : i32
      %broadcast_in_dim3A_1008 = arith.constant 0 : i32
      %broadcast_in_dim3A_1009 = vector.broadcast %broadcast_in_dim3A_1008 : i32 to vector<16xi32>
      %add3A_1010 = vector.broadcast %and3A_1003 : i32 to vector<16xi32>
      %add3A_1011 = arith.addi %broadcast_in_dim3A_1009, %add3A_1010 : vector<16xi32>
      %gather3A_1012 = arith.constant 1 : i32
      %gather3A_1013 = arith.constant 0 : i32
      %gather3A_1014 = arith.constant 0 : i32
      %gather3A_1015 = tpu.memref_slice %arg9[%rem3A_903, %gather3A_1012, %gather3A_1013, %gather3A_1014] : memref<6x4x16x128xf32, #tpu.memory_space<vmem>> -> memref<1x1x16x128xf32, #tpu.memory_space<vmem>>
      %gather3A_1016 = tpu.memref_squeeze %gather3A_1015 : memref<1x1x16x128xf32, #tpu.memory_space<vmem>> -> memref<16x128xf32, #tpu.memory_space<vmem>>
      %gather3A_1017 = tpu.vector_load_idx %gather3A_1016[%iota3A, %add3A_1011] : memref<16x128xf32, #tpu.memory_space<vmem>>[vector<16xi32>, vector<16xi32>], vector<16xf32>,
      %broadcast_in_dim3A_1018 = arith.constant 0 : i32
      %broadcast_in_dim3A_1019 = vector.broadcast %broadcast_in_dim3A_1018 : i32 to vector<16xi32>
      %add3A_1020 = vector.broadcast %and3A_1007 : i32 to vector<16xi32>
      %add3A_1021 = arith.addi %broadcast_in_dim3A_1019, %add3A_1020 : vector<16xi32>
      %gather3A_1022 = arith.constant 1 : i32
      %gather3A_1023 = arith.constant 0 : i32
      %gather3A_1024 = arith.constant 0 : i32
      %gather3A_1025 = tpu.memref_slice %arg10[%rem3A_903, %gather3A_1022, %gather3A_1023, %gather3A_1024] : memref<6x4x16x128xf32, #tpu.memory_space<vmem>> -> memref<1x1x16x128xf32, #tpu.memory_space<vmem>>
      %gather3A_1026 = tpu.memref_squeeze %gather3A_1025 : memref<1x1x16x128xf32, #tpu.memory_space<vmem>> -> memref<16x128xf32, #tpu.memory_space<vmem>>
      %gather3A_1027 = tpu.vector_load_idx %gather3A_1026[%iota3A, %add3A_1021] : memref<16x128xf32, #tpu.memory_space<vmem>>[vector<16xi32>, vector<16xi32>], vector<16xf32>,
      %mul3A_1028 = arith.mulf %gather3A_1017, %gather3A_1027 : vector<16xf32>
      %reduce_sum3A_1029 = arith.constant true
      %reduce_sum3A_1030 = vector.broadcast %reduce_sum3A_1029 : i1 to vector<16xi1>
      %reduce_sum3A_1031 = tpu.scan <sum>, %mul3A_1028 masked %reduce_sum3A_1030 : vector<16xf32>, vector<16xi1> -> vector<16xf32>
      %reduce_sum3A_1032 = vector.extract %reduce_sum3A_1031[15] : f32 from vector<16xf32>
      %add3A_1033 = arith.constant 1 : i32
      %add3A_1034 = arith.addi %mul3A_954, %add3A_1033 : i32
      %eq3A_1035 = vector.broadcast %add3A_1034 : i32 to vector<16xi32>
      %eq3A_1036 = arith.cmpi eq, %iota3A, %eq3A_1035 : vector<16xi32>
      %broadcast_in_dim3A_1037 = vector.broadcast %reduce_sum3A_1032 : f32 to vector<16xf32>
      %select_n3A_1038 = arith.select %eq3A_1036, %broadcast_in_dim3A_1037, %select_n3A_999 : vector<16xi1>, vector<16xf32>
      %slice3A_1039 = vector.extract_strided_slice %get3A_958 {offsets = [2], sizes = [1], strides = [1]} : vector<16xi32> to vector<1xi32>
      %squeeze3A_1040 = vector.extract %slice3A_1039[0] : i32 from vector<1xi32>
      %and3A_1041 = arith.constant 127 : i32
      %and3A_1042 = arith.andi %squeeze3A_1040, %and3A_1041 : i32
      %slice3A_1043 = vector.extract_strided_slice %get3A_962 {offsets = [2], sizes = [1], strides = [1]} : vector<16xi32> to vector<1xi32>
      %squeeze3A_1044 = vector.extract %slice3A_1043[0] : i32 from vector<1xi32>
      %and3A_1045 = arith.constant 127 : i32
      %and3A_1046 = arith.andi %squeeze3A_1044, %and3A_1045 : i32
      %broadcast_in_dim3A_1047 = arith.constant 0 : i32
      %broadcast_in_dim3A_1048 = vector.broadcast %broadcast_in_dim3A_1047 : i32 to vector<16xi32>
      %add3A_1049 = vector.broadcast %and3A_1042 : i32 to vector<16xi32>
      %add3A_1050 = arith.addi %broadcast_in_dim3A_1048, %add3A_1049 : vector<16xi32>
      %gather3A_1051 = arith.constant 2 : i32
      %gather3A_1052 = arith.constant 0 : i32
      %gather3A_1053 = arith.constant 0 : i32
      %gather3A_1054 = tpu.memref_slice %arg9[%rem3A_903, %gather3A_1051, %gather3A_1052, %gather3A_1053] : memref<6x4x16x128xf32, #tpu.memory_space<vmem>> -> memref<1x1x16x128xf32, #tpu.memory_space<vmem>>
      %gather3A_1055 = tpu.memref_squeeze %gather3A_1054 : memref<1x1x16x128xf32, #tpu.memory_space<vmem>> -> memref<16x128xf32, #tpu.memory_space<vmem>>
      %gather3A_1056 = tpu.vector_load_idx %gather3A_1055[%iota3A, %add3A_1050] : memref<16x128xf32, #tpu.memory_space<vmem>>[vector<16xi32>, vector<16xi32>], vector<16xf32>,
      %broadcast_in_dim3A_1057 = arith.constant 0 : i32
      %broadcast_in_dim3A_1058 = vector.broadcast %broadcast_in_dim3A_1057 : i32 to vector<16xi32>
      %add3A_1059 = vector.broadcast %and3A_1046 : i32 to vector<16xi32>
      %add3A_1060 = arith.addi %broadcast_in_dim3A_1058, %add3A_1059 : vector<16xi32>
      %gather3A_1061 = arith.constant 2 : i32
      %gather3A_1062 = arith.constant 0 : i32
      %gather3A_1063 = arith.constant 0 : i32
      %gather3A_1064 = tpu.memref_slice %arg10[%rem3A_903, %gather3A_1061, %gather3A_1062, %gather3A_1063] : memref<6x4x16x128xf32, #tpu.memory_space<vmem>> -> memref<1x1x16x128xf32, #tpu.memory_space<vmem>>
      %gather3A_1065 = tpu.memref_squeeze %gather3A_1064 : memref<1x1x16x128xf32, #tpu.memory_space<vmem>> -> memref<16x128xf32, #tpu.memory_space<vmem>>
      %gather3A_1066 = tpu.vector_load_idx %gather3A_1065[%iota3A, %add3A_1060] : memref<16x128xf32, #tpu.memory_space<vmem>>[vector<16xi32>, vector<16xi32>], vector<16xf32>,
      %mul3A_1067 = arith.mulf %gather3A_1056, %gather3A_1066 : vector<16xf32>
      %reduce_sum3A_1068 = arith.constant true
      %reduce_sum3A_1069 = vector.broadcast %reduce_sum3A_1068 : i1 to vector<16xi1>
      %reduce_sum3A_1070 = tpu.scan <sum>, %mul3A_1067 masked %reduce_sum3A_1069 : vector<16xf32>, vector<16xi1> -> vector<16xf32>
      %reduce_sum3A_1071 = vector.extract %reduce_sum3A_1070[15] : f32 from vector<16xf32>
      %add3A_1072 = arith.constant 2 : i32
      %add3A_1073 = arith.addi %mul3A_954, %add3A_1072 : i32
      %eq3A_1074 = vector.broadcast %add3A_1073 : i32 to vector<16xi32>
      %eq3A_1075 = arith.cmpi eq, %iota3A, %eq3A_1074 : vector<16xi32>
      %broadcast_in_dim3A_1076 = vector.broadcast %reduce_sum3A_1071 : f32 to vector<16xf32>
      %select_n3A_1077 = arith.select %eq3A_1075, %broadcast_in_dim3A_1076, %select_n3A_1038 : vector<16xi1>, vector<16xf32>
      %slice3A_1078 = vector.extract_strided_slice %get3A_958 {offsets = [3], sizes = [1], strides = [1]} : vector<16xi32> to vector<1xi32>
      %squeeze3A_1079 = vector.extract %slice3A_1078[0] : i32 from vector<1xi32>
      %and3A_1080 = arith.constant 127 : i32
      %and3A_1081 = arith.andi %squeeze3A_1079, %and3A_1080 : i32
      %slice3A_1082 = vector.extract_strided_slice %get3A_962 {offsets = [3], sizes = [1], strides = [1]} : vector<16xi32> to vector<1xi32>
      %squeeze3A_1083 = vector.extract %slice3A_1082[0] : i32 from vector<1xi32>
      %and3A_1084 = arith.constant 127 : i32
      %and3A_1085 = arith.andi %squeeze3A_1083, %and3A_1084 : i32
      %broadcast_in_dim3A_1086 = arith.constant 0 : i32
      %broadcast_in_dim3A_1087 = vector.broadcast %broadcast_in_dim3A_1086 : i32 to vector<16xi32>
      %add3A_1088 = vector.broadcast %and3A_1081 : i32 to vector<16xi32>
      %add3A_1089 = arith.addi %broadcast_in_dim3A_1087, %add3A_1088 : vector<16xi32>
      %gather3A_1090 = arith.constant 3 : i32
      %gather3A_1091 = arith.constant 0 : i32
      %gather3A_1092 = arith.constant 0 : i32
      %gather3A_1093 = tpu.memref_slice %arg9[%rem3A_903, %gather3A_1090, %gather3A_1091, %gather3A_1092] : memref<6x4x16x128xf32, #tpu.memory_space<vmem>> -> memref<1x1x16x128xf32, #tpu.memory_space<vmem>>
      %gather3A_1094 = tpu.memref_squeeze %gather3A_1093 : memref<1x1x16x128xf32, #tpu.memory_space<vmem>> -> memref<16x128xf32, #tpu.memory_space<vmem>>
      %gather3A_1095 = tpu.vector_load_idx %gather3A_1094[%iota3A, %add3A_1089] : memref<16x128xf32, #tpu.memory_space<vmem>>[vector<16xi32>, vector<16xi32>], vector<16xf32>,
      %broadcast_in_dim3A_1096 = arith.constant 0 : i32
      %broadcast_in_dim3A_1097 = vector.broadcast %broadcast_in_dim3A_1096 : i32 to vector<16xi32>
      %add3A_1098 = vector.broadcast %and3A_1085 : i32 to vector<16xi32>
      %add3A_1099 = arith.addi %broadcast_in_dim3A_1097, %add3A_1098 : vector<16xi32>
      %gather3A_1100 = arith.constant 3 : i32
      %gather3A_1101 = arith.constant 0 : i32
      %gather3A_1102 = arith.constant 0 : i32
      %gather3A_1103 = tpu.memref_slice %arg10[%rem3A_903, %gather3A_1100, %gather3A_1101, %gather3A_1102] : memref<6x4x16x128xf32, #tpu.memory_space<vmem>> -> memref<1x1x16x128xf32, #tpu.memory_space<vmem>>
      %gather3A_1104 = tpu.memref_squeeze %gather3A_1103 : memref<1x1x16x128xf32, #tpu.memory_space<vmem>> -> memref<16x128xf32, #tpu.memory_space<vmem>>
      %gather3A_1105 = tpu.vector_load_idx %gather3A_1104[%iota3A, %add3A_1099] : memref<16x128xf32, #tpu.memory_space<vmem>>[vector<16xi32>, vector<16xi32>], vector<16xf32>,
      %mul3A_1106 = arith.mulf %gather3A_1095, %gather3A_1105 : vector<16xf32>
      %reduce_sum3A_1107 = arith.constant true
      %reduce_sum3A_1108 = vector.broadcast %reduce_sum3A_1107 : i1 to vector<16xi1>
      %reduce_sum3A_1109 = tpu.scan <sum>, %mul3A_1106 masked %reduce_sum3A_1108 : vector<16xf32>, vector<16xi1> -> vector<16xf32>
      %reduce_sum3A_1110 = vector.extract %reduce_sum3A_1109[15] : f32 from vector<16xf32>
      %add3A_1111 = arith.constant 3 : i32
      %add3A_1112 = arith.addi %mul3A_954, %add3A_1111 : i32
      %eq3A_1113 = vector.broadcast %add3A_1112 : i32 to vector<16xi32>
      %eq3A_1114 = arith.cmpi eq, %iota3A, %eq3A_1113 : vector<16xi32>
      %broadcast_in_dim3A_1115 = vector.broadcast %reduce_sum3A_1110 : f32 to vector<16xf32>
      %select_n3A_1116 = arith.select %eq3A_1114, %broadcast_in_dim3A_1115, %select_n3A_1077 : vector<16xi1>, vector<16xf32>
      %get3A_1117 = arith.index_cast %mul3A_950 : i32 to index
      %get3A_1118 = tpu.vector_load %arg11[%get3A_1117] {strides = array<i32>} : memref<512xf32, #tpu.memory_space<vmem>>, vector<16xf32>,
      %ge3A = vector.broadcast %mul3A_954 : i32 to vector<16xi32>
      %ge3A_1119 = arith.cmpi sge, %iota3A, %ge3A : vector<16xi32>
      %add3A_1120 = arith.constant 4 : i32
      %add3A_1121 = arith.addi %mul3A_954, %add3A_1120 : i32
      %lt3A_1122 = vector.broadcast %add3A_1121 : i32 to vector<16xi32>
      %lt3A_1123 = arith.cmpi slt, %iota3A, %lt3A_1122 : vector<16xi32>
      %and3A_1124 = arith.andi %ge3A_1119, %lt3A_1123 : vector<16xi1>
      %select_n3A_1125 = arith.select %and3A_1124, %select_n3A_1116, %get3A_1118 : vector<16xi1>, vector<16xf32>
      %swap3A = arith.index_cast %mul3A_950 : i32 to index
      %swap3A_1126 = tpu.vector_load %arg11[%swap3A] {strides = array<i32>} : memref<512xf32, #tpu.memory_space<vmem>>, vector<16xf32>,
      tpu.vector_store %arg11[%swap3A], %select_n3A_1125 {strides = array<i32>} : memref<512xf32, #tpu.memory_space<vmem>>, vector<16xf32>,
    }
    %scan3A_901 = arith.constant 128 : i32
    "tpu.region"() ({
      %run_scoped3A = tpu.sem_alloc : memref<!tpu.dma_semaphore, #tpu.memory_space<semaphore_mem>>
      %dma_start3A_902 = tpu.memref_slice %arg6[%mul3A_2] : memref<16384xf32, #tpu.memory_space<hbm>> -> memref<512xf32, #tpu.memory_space<hbm>>
      %dma_start3A_903 = tpu.memref_slice %arg6[%mul3A_2] : memref<16384xf32, #tpu.memory_space<hbm>> -> memref<512xf32, #tpu.memory_space<hbm>>
      tpu.enqueue_dma source(%arg11 : memref<512xf32, #tpu.memory_space<vmem>>) target(%dma_start3A_903 : memref<512xf32, #tpu.memory_space<hbm>>) target_semaphore(%run_scoped3A : memref<!tpu.dma_semaphore, #tpu.memory_space<semaphore_mem>>)
      %dma_wait3A = tpu.memref_slice %arg6[%mul3A_2] : memref<16384xf32, #tpu.memory_space<hbm>> -> memref<512xf32, #tpu.memory_space<hbm>>
      %dma_wait3A_904 = tpu.memref_slice %arg6[%mul3A_2] : memref<16384xf32, #tpu.memory_space<hbm>> -> memref<512xf32, #tpu.memory_space<hbm>>
      tpu.wait_dma2 semaphore(%run_scoped3A : memref<!tpu.dma_semaphore, #tpu.memory_space<semaphore_mem>>) src(%arg11 : memref<512xf32, #tpu.memory_space<vmem>>) dst(%dma_wait3A_904 : memref<512xf32, #tpu.memory_space<hbm>>)
      tpu.yield
    }) : () -> ()
    return
  }
}

</mosaic_0001>

<sc_bundles>
// kernel: _mf_dot.3.cloned.1.call-start
scs
__scs_entry_jumppad:
0x0: {  	(pc) =	sbr.rel $0x88, $3  }
0x1: {  	(tag) =	ssettag $0x0;
	lr =	simm.s32 $0x1  }
0x2: {  	[smem:$0x3F9E] =	sst lr;
	_ =	strace $0xD0000000  }
0x3: {  	_ = 	snop  }
0x4: {  	_ = 	snop  }
0x5: {  	_ = 	snop  }
0x6: {  	_ = 	snop  }
0x7: {  	_ = 	snop  }
__scs_overlays_trampoline_lowered:
0x8: {  	[smem:$0x3FAD] =	sst s0  }
0x9: {  	[smem:$0x3FAE] =	sst s1  }
0xa: {  	[smem:$0x3FAF] =	sst s2  }
0xb: {  	[smem:$0x3FB0] =	sst s3  }
0xc: {  	[smem:$0x3FB1] =	sst s4  }
0xd: {  	[smem:$0x3FB2] =	sst s5  }
0xe: {  	[smem:$0x3FB3] =	sst s6  }
0xf: {  	[smem:$0x3FB4] =	sst s7  }
0x10: {  	[smem:$0x3FB5] =	sst s8  }
0x11: {  	[smem:$0x3FB6] =	sst s9;
	s0 =	simm.s32 @!p0 $0x0  }
0x12: {  	s1 =	sld [smem:$0x3F9C];
	s0 =	simm.s32 @p0 $0x1  }
0x13: {  	[smem:$0x3FB7] =	sst s0;
	s0 =	simm.s32 @!p1 $0x0  }
0x14: {  	s2 =	sld [smem:$0x3F9B];
	s0 =	simm.s32 @p1 $0x1  }
0x15: {  	[smem:$0x3FB8] =	sst s0;
	s0 =	simm.s32 @!p2 $0x0  }
0x16: {  	s3 =	sld [smem:$0x3FDB];
	s0 =	simm.s32 @p2 $0x1  }
0x17: {  	s4 =	simm.s32 $0x1BF5;
	[smem:$0x3FBA] =	sst s0  }
0x18: {  	s0 =	sld [smem:$0x3F9D];
	_ =	swait.ge [sflag:s4], $0x0  }
0x19: {  	s7 =	sld [smem:$0x3F9E]  }
0x1a: {  	s8 =	sadd.s32 $0xFFFFE003, lr  }
0x1b: {  	s9 =	sadd.s32 $0xFFFFFEF7, lr;
	s5 =	simm.s32 $0xFFFFFFFF;
	p2 =	slt.u32 s8, $0xFFFFF086  }
0x1c: {  	p1 =	slt.u32 s9, $0xF7A;
	s5 =	simm.s32 @!p2 $0x0  }
0x1d: {  	s5 =	simm.s32 @p1 $0x1;
	p0 =	seq.s32 s7, s2  }
0x1e: {  	s7 =	smul.u32 @!p0 $0xF7A, s2;
	p2 =	seq.s32 @!p0 s5, $0x0  }
0x1f: {  	s9 =	smul.u32 $0xF7A, s1;
	s8 =	simm.s32 @!p0 $0x1BF5;
	p2 =	por !p2, p0  }
0x20: {  	[sflag:s8] =	ssyncset.s32 @!p0 $0xFFFFF086;
	s6 =	sadd.s32 @!p0 s3, s7;
	s7 =	simm.s32 @!p0 $0x108  }
0x21: {  	s3 =	sadd.s32 s3, s9;
	s6 =	sadd.s32 @!p0 $0x88, s6;
	s7 =	simm.s32 @p2 $0x1082  }
0x22: {  	[simem:s7], [sflag:s8] =	dma.local @!p0 [hbm:s6], $0xF7A  }
0x23: {  	s9 =	sor.u32 $0xD0000000, s2;
	s6 =	simm.s32 $0x108;
	_ =	swait.ge @!p0 [sflag:s8], $0x0  }
0x24: {  	s3 =	sadd.s32 $0x88, s3;
	s6 =	simm.s32 @!p1 $0x1082;
	[sflag:s4] =	ssyncset.s32 $0xFFFFF086  }
0x25: {  	[simem:s6], [sflag:s4] =	dma.local [hbm:s3], $0xF7A  }
0x26: {  	[smem:$0x3F9E] =	sst s1;
	(tag) =	ssettag s2;
	_ =	strace s9  }
0x27: {  	s1 =	sld [smem:$0x3FAE]  }
0x28: {  	s2 =	sld [smem:$0x3FAF]  }
0x29: {  	s4 =	sld [smem:$0x3FB1]  }
0x2a: {  	p0 =	seq.s32 s5, $0x0;
	s5 =	sld [smem:$0x3FB2]  }
0x2b: {  	s6 =	sld [smem:$0x3FB3]  }
0x2c: {  	s7 =	sld [smem:$0x3FB4]  }
0x2d: {  	s3 =	simm.s32 $0x108;
	s8 =	sld [smem:$0x3FB5]  }
0x2e: {  	s3 =	simm.s32 @!p0 $0x1082;
	s9 =	sld [smem:$0x3FB6]  }
0x2f: {  	lr =	sadd.s32 s0, s3;
	s0 =	sld [smem:$0x3FAD]  }
0x30: {  	s3 =	sld [smem:$0x3FB0]  }
0x31: {  	[smem:$0x3FB9] =	sst s10  }
0x32: {  	s10 =	sld [smem:$0x3FB7];
	_ =	sdelay $0x3  }
0x33: {  	p0 =	seq.s32 s10, $0x1;
	s10 =	sld [smem:$0x3FB9];
	_ =	sdelay $0x3  }
0x34: {  	[smem:$0x3FB9] =	sst s10  }
0x35: {  	s10 =	sld [smem:$0x3FB8];
	_ =	sdelay $0x3  }
0x36: {  	p1 =	seq.s32 s10, $0x1;
	s10 =	sld [smem:$0x3FB9];
	_ =	sdelay $0x3  }
0x37: {  	[smem:$0x3FB9] =	sst s10  }
0x38: {  	s10 =	sld [smem:$0x3FBA]  }
0x39: {  	_ = 	snop;
	(pc) =	sbr.ind lr, $3  }
0x3a: {  	_ = 	snop  }
0x3b: {  	_ = 	snop  }
0x3c: {  	p2 =	seq.s32 s10, $0x1;
	s10 =	sld [smem:$0x3FB9]  }
0x3d: {  	_ =	shalt  }
0x3e: {  	_ =	shalt  }
0x3f: {  	_ =	shalt  }
0x40: {  	_ =	shalt  }
0x41: {  	_ =	shalt  }
0x42: {  	_ =	shalt  }
0x43: {  	_ =	shalt  }
0x44: {  	_ =	shalt  }
0x45: {  	_ =	shalt  }
0x46: {  	_ =	shalt  }
0x47: {  	_ =	shalt  }
0x48: {  	_ =	shalt  }
0x49: {  	_ =	shalt  }
0x4a: {  	_ =	shalt  }
0x4b: {  	_ =	shalt  }
0x4c: {  	_ =	shalt  }
0x4d: {  	_ =	shalt  }
0x4e: {  	_ =	shalt  }
0x4f: {  	_ =	shalt  }
0x50: {  	_ =	shalt  }
0x51: {  	_ =	shalt  }
0x52: {  	_ =	shalt  }
0x53: {  	_ =	shalt  }
0x54: {  	_ =	shalt  }
0x55: {  	_ =	shalt  }
0x56: {  	_ =	shalt  }
0x57: {  	_ =	shalt  }
0x58: {  	_ =	shalt  }
0x59: {  	_ =	shalt  }
0x5a: {  	_ =	shalt  }
0x5b: {  	_ =	shalt  }
0x5c: {  	_ =	shalt  }
0x5d: {  	_ =	shalt  }
0x5e: {  	_ =	shalt  }
0x5f: {  	_ =	shalt  }
0x60: {  	_ =	shalt  }
0x61: {  	_ =	shalt  }
0x62: {  	_ =	shalt  }
0x63: {  	_ =	shalt  }
0x64: {  	_ =	shalt  }
0x65: {  	_ =	shalt  }
0x66: {  	_ =	shalt  }
0x67: {  	_ =	shalt  }
0x68: {  	_ =	shalt  }
0x69: {  	_ =	shalt  }
0x6a: {  	_ =	shalt  }
0x6b: {  	_ =	shalt  }
0x6c: {  	_ =	shalt  }
0x6d: {  	_ =	shalt  }
0x6e: {  	_ =	shalt  }
0x6f: {  	_ =	shalt  }
0x70: {  	_ =	shalt  }
0x71: {  	_ =	shalt  }
0x72: {  	_ =	shalt  }
0x73: {  	_ =	shalt  }
0x74: {  	_ =	shalt  }
0x75: {  	_ =	shalt  }
0x76: {  	_ =	shalt  }
0x77: {  	_ =	shalt  }
0x78: {  	_ =	shalt  }
0x79: {  	_ =	shalt  }
0x7a: {  	_ =	shalt  }
0x7b: {  	_ =	shalt  }
0x7c: {  	_ =	shalt  }
0x7d: {  	_ =	shalt  }
0x7e: {  	_ =	shalt  }
0x7f: {  	_ =	shalt  }
0x80: {  	_ =	shalt  }
0x81: {  	_ =	shalt  }
0x82: {  	_ =	shalt  }
0x83: {  	_ =	shalt  }
0x84: {  	_ =	shalt  }
0x85: {  	_ =	shalt  }
0x86: {  	_ =	shalt  }
0x87: {  	_ =	shalt  }
.Lfunc_end0:
.L_simem_size_0:
called_computation_lowered:
.L_overlay_start_0:
0x88: {  	s2 =	sld [smem:$0x3FD9]  }
0x89: {  	s3 =	sld [smem:$0x3FFE];
	_ =	sdelay $0x1  }
0x8a: {  	s1 =	srdreg.scid  }
0x8b: {  	s0 =	sand.u32 $0x1, s1  }
0x8c: {  	s17 =	sshll.u32 s0, $0xA;
	s2 =	sadd.s32 s3, s2  }
0x8d: {  	s2 =	sadd.s32 s2, s17  }
0x8e: {  	[smem:$0x3FC5] =	sst s2  }
0x8f: {  	_ = 	snop  }
0x90: {  	s2 =	sld [smem:$0x3FC8]  }
0x91: {  	s18 =	sld [smem:$0x3FC7]  }
0x92: {  	s4 =	sld [smem:$0x3FD0];
	(tm) =	ssettm $0x1  }
0x93: {  	s5 =	sld [smem:$0x3FFB];
	_ =	sdelay $0x3  }
0x94: {  	_ =	strace s5  }
0x95: {  	s5 =	sld [smem:$0x3FFC];
	_ =	sdelay $0x3  }
0x96: {  	_ =	strace s5  }
0x97: {  	s5 =	sld [smem:$0x3FFD];
	_ =	sdelay $0x3  }
0x98: {  	_ =	strace s5  }
0x99: {  	_ =	strace $0x8FFFFFFF  }
0x9a: {  	s19 =	sld [smem:$0x3FDB];
	_ =	sdelay $0x1  }
0x9b: {  	s6 =	simm.s32 $_scs_section_size  }
0x9c: {  	s7 =	simm.s32 $_size__tile_overlayer_lowered;
	s8 =	simm.s32 $_tile_overlayer_lowered  }
0x9d: {  	s22 =	simm.s32 $0x1BFF;
	s21 =	sshll.u32 s8, $0x1;
	s5 =	sadd.s32 s6, s19  }
0x9e: {  	s9 =	simm.s32 $0x0;
	s20 =	sshll.u32 s7, $0x1;
	s7 =	sadd.s32 s21, s5  }
0x9f: {  	[timem:s9], [sflag:s22] =	dma.local [hbm:s7], s20  }
0xa0: {  	_ =	swait.ge [sflag:s22], s20  }
0xa1: {  	s6 =	ssub.s32 $0x0, s20;
	[sflag:s22] =	ssyncset.done $0x0  }
0xa2: {  	[sflag:s22] =	ssyncadd.s32 s6;
	_ =	sdelay $0x1  }
0xa3: {  	s23 =	simm.s32 $0x1B8B  }
0xa4: {  	_ =	swait.ge [sflag:s23], $0x1  }
0xa5: {  	[sflag:s23] =	ssyncset.done $0x0  }
0xa6: {  	s25 =	simm.s32 $0x1B8E;
	s24 =	sld [smem:$0x3FFE];
	[sflag:s23] =	ssyncadd.s32 $0xFFFFFFFF  }
0xa7: {  	s26 =	simm.s32 $execute0_lowered;
	[smem:$0x3FD2] =	sst s25  }
0xa8: {  	s7 =	sshll.u32 s26, $0x1;
	_ =	strace $0x80000046;
	[dreg:$0x1] =	wrdreg $0xFFFFFFFF  }
0xa9: {  	s28 =	simm.s32 $_size_execute0_lowered;
	s5 =	sadd.s32 s5, s7;
	[dreg:$0x0] =	wrdreg $0x0  }
0xaa: {  	s7 =	sshll.u32 s28, $0x1;
	[dreg:$0x2] =	wrdreg s5  }
0xab: {  	[dreg:$0x3] =	wrdreg s7  }
0xac: {  	[dreg:$0x4] =	wrdreg $0xC0  }
0xad: {  	_ =	task [dreg:s9], $0x5FFFF  }
0xae: {  	[dreg:$0x1] =	wrdreg $0xFFFFFFFF  }
0xaf: {  	[dreg:$0x0] =	wrdreg $0x60  }
0xb0: {  	[dreg:$0x2] =	wrdreg s24  }
0xb1: {  	[dreg:$0x3] =	wrdreg s2  }
0xb2: {  	[dreg:$0x4] =	wrdreg s18  }
0xb3: {  	[dreg:$0x5] =	wrdreg s4  }
0xb4: {  	[dreg:$0x6] =	wrdreg $0x9  }
0xb5: {  	_ =	task.clear_ibuf [dreg:s9], $0x7FFFF;
	_ =	strace $0x90000046  }
0xb6: {  	s29 =	simm.s32 $0x9;
	_ =	strace $0x80000048  }
0xb7: {  	_ =	swait.ge [sflag:s29], $0x1  }
0xb8: {  	[sflag:s29] =	ssyncadd.s32 $0xFFFFFFFF  }
0xb9: {  	_ =	strace $0x90000048  }
0xba: {  	_ =	sfence  }
0xbb: {  	s30 =	sld [smem:$0x0];
	_ =	sdelay $0x2  }
0xbc: {  	s31 =	sshll.u32 s1, $0xD;
	s1 =	sshrl.u32 s1, $0x2  }
0xbd: {  	s3 =	sand.u32 $0x4000, s31;
	s1 =	sadd.s32 s1, s30  }
0xbe: {  	s0 =	sor.u32 s3, s0;
	s1 =	sshll.u32 s1, $0x11  }
0xbf: {  	s0 =	sor.u32 s1, s0  }
0xc0: {  	s0 =	sadd.s32 $0x8F2B, s0  }
0xc1: {  	[sflag:s0] =	ssyncadd.remote.s32 $0x1  }
0xc2: {  	_ =	sfence.sel $0xFFFF  }
0xc3: {  	[dreg:$0x0] =	wrdreg $0xFFFFFFFF;
	(pc) =	sbr.abs _section_cstart, $3  }
0xc4: {  	[dreg:$0x1] =	wrdreg $0xFFFFFFFF  }
0xc5: {  	_ =	task.clear_ibuf [dreg:s9], $0x2FFFF;
	_ =	strace $0x9FFFFFFF  }
0xc6: {  	(tm) =	ssettm $0x7FFFFFFF  }
0xc7: {  	_ =	shalt  }
tec
execute0_lowered:
.L_overlay_start_1:
0x0: {  	(tag) =	ssettag $0x1  }
0x1: {  	s0 =	rddreg [dreg:$0x0]  }
0x2: {  	s1 =	rddreg [dreg:$0x1]  }
0x3: {  	s3 =	rddreg [dreg:$0x2]  }
0x4: {  	s2 =	rddreg [dreg:$0x3]  }
0x5: {  	s4 =	srdreg.scid;
	s6 =	stileid.u32;
	s9 =	simm.s32 $0xD  }
0x6: {  	s11 =	simm.s32 $0x400;
	s12 =	simm.s32 $0x7A1400;
	s24 =	simm.s32 $0x8500  }
0x7: {  	s25 =	simm.s32 $0x14500;
	s28 =	simm.s32 $0x14D00;
	s29 =	simm.s32 $0x9500  }
0x8: {  	s30 =	simm.s32 $0x15500;
	s31 =	simm.s32 $0x9D00;
	s10 =	simm.s32 $0x0  }
0x9: {  	s5 =	sand.u32 $0x1, s4;
	s4 =	simm.s32 $0x0;
	s6 =	sshll.u32 s6, $0x7  }
0xa: {  	s7 =	sshll.u32 s5, $0x6;
	[smem:$0x7FF] =	sst s4;
	s5 =	ssub.s32 $0x2, s5  }
0xb: {  	s7 =	sor.u32 s7, s6;
	_ =	strace $0x80000047;
	s26 =	sshrl.u32 s5, $0x1  }
0xc: {  	s0 =	sadd.s32 s7, s0;
	s8 =	ssub.s32 s5, s26;
	s7 =	sadd.s32 s2, s7  }
0xd: {  	v0 =	vlaneseq.u32;
	s26 =	simm.s32 $0x8D00;
	s2 =	simm.s32 $0x18500;
	s5 =	sadd.s32 $0xE00, s0  }
0xe: {  	v1 =	vmul.u32 $0x80, v0;
	v2 =	vadd.s32 $0x1, v0;
	s6 =	sadd.s32 $0x600, s0;
	s8 =	smax.u32 s8, $0x1;
	s0 =	simm.s32 $0x15D00  }
.LBB2_1:
0xf: {  	[tilespmem:s4], [sflag:$0xD] =	stream.linear.gather [hbm4b:s5+s4], $0x200, $0x38;
	[tilespmem:$0x18700] =	vst v63  }
0x10: {  	_ =	swait.ge [sflag:s9], $0x200  }
0x11: {  	[sflag:s9] =	ssyncset.done $0x0  }
0x12: {  	s13 =	simm.s32 $0x280;
	[sflag:s9] =	ssyncadd.s32 $0xFFFFFE00  }
0x13: {  	[tilespmem:s13], [sflag:$0xD] =	stream.linear.gather [hbm4b:s6+s4], $0x200, $0x38;
	[tilespmem:$0x18700] =	vst v63  }
0x14: {  	_ =	swait.ge [sflag:s9], $0x200  }
0x15: {  	[sflag:s9] =	ssyncset.done $0x0  }
0x16: {  	[sflag:s9] =	ssyncadd.s32 $0xFFFFFE00  }
0x17: {  	v3 =	vld [tilespmem:$0x0];
	_ =	sdelay $0x1  }
0x18: {  	v4 =	vld [tilespmem:$0x280];
	_ =	sdelay $0x2  }
0x19: {  	(v2sf) =	vpush v3, $0x0;
	_ =	sdelay $0x1  }
0x1a: {  	(v2sf) =	vpush v4, $0x0;
	_ =	sdelay $0x1  }
0x1b: {  	(v2sf) =	vpush v3, $0x1;
	_ =	sdelay $0x5  }
0x1c: {  	(v2sf) =	vpush v4, $0x1;
	_ =	sdelay $0x4  }
0x1d: {  	s19 =	spop (v2sf);
	(v2sf) =	vpush v3, $0x2;
	_ =	sdelay $0x1  }
0x1e: {  	s20 =	spop (v2sf);
	(v2sf) =	vpush v4, $0x2  }
0x1f: {  	s13 =	sand.u32 $0xFFFFF80, s19  }
0x20: {  	s14 =	simm.s32 $0x500;
	s13 =	sadd.s32 s1, s13;
	s22 =	spop (v2sf)  }
0x21: {  	(v2sf) =	vpush v3, $0x3;
	[tilespmem:s14], [sflag:$0x1] =	stream.strided.gather [hbm4b:s13+s11], $0x800, s12, s11, $0x38;
	[tilespmem:$0x18700] =	vst v63  }
0x22: {  	s13 =	sand.u32 $0xFFFFF80, s20  }
0x23: {  	s21 =	simm.s32 $0xC500;
	s13 =	sadd.s32 s3, s13  }
0x24: {  	(v2sf) =	vpush v4, $0x3;
	[tilespmem:s21], [sflag:$0x7] =	stream.strided.gather [hbm4b:s13+s11], $0x800, s12, s11, $0x38;
	[tilespmem:$0x18700] =	vst v63  }
0x25: {  	s13 =	sand.u32 $0xFFFFF80, s22  }
0x26: {  	s23 =	simm.s32 $0xD00;
	s14 =	spop (v2sf);
	s13 =	sadd.s32 s1, s13  }
0x27: {  	[tilespmem:s23], [sflag:$0x1] =	stream.strided.gather [hbm4b:s13+s11], $0x800, s12, s11, $0x38;
	[tilespmem:$0x18700] =	vst v63  }
0x28: {  	s13 =	sand.u32 $0xFFFFF80, s14  }
0x29: {  	s15 =	simm.s32 $0xCD00;
	s13 =	sadd.s32 s3, s13  }
0x2a: {  	[tilespmem:s15], [sflag:$0x7] =	stream.strided.gather [hbm4b:s13+s11], $0x800, s12, s11, $0x38;
	[tilespmem:$0x18700] =	vst v63  }
0x2b: {  	s16 =	spop (v2sf)  }
0x2c: {  	s13 =	sand.u32 $0xFFFFF80, s16  }
0x2d: {  	s17 =	simm.s32 $0x1500;
	s18 =	spop (v2sf);
	s13 =	sadd.s32 s1, s13  }
0x2e: {  	[tilespmem:s17], [sflag:$0x1] =	stream.strided.gather [hbm4b:s13+s11], $0x800, s12, s11, $0x38;
	[tilespmem:$0x18700] =	vst v63  }
0x2f: {  	s13 =	sand.u32 $0xFFFFF80, s18  }
0x30: {  	s19 =	simm.s32 $0xD500;
	s20 =	spop (v2sf);
	s13 =	sadd.s32 s3, s13  }
0x31: {  	[tilespmem:s19], [sflag:$0x7] =	stream.strided.gather [hbm4b:s13+s11], $0x800, s12, s11, $0x38;
	[tilespmem:$0x18700] =	vst v63  }
0x32: {  	s13 =	sand.u32 $0xFFFFF80, s20  }
0x33: {  	s21 =	simm.s32 $0x1D00;
	s22 =	spop (v2sf);
	s13 =	sadd.s32 s1, s13  }
0x34: {  	[tilespmem:s21], [sflag:$0x1] =	stream.strided.gather [hbm4b:s13+s11], $0x800, s12, s11, $0x38;
	[tilespmem:$0x18700] =	vst v63  }
0x35: {  	s13 =	sand.u32 $0xFFFFF80, s22  }
0x36: {  	s23 =	simm.s32 $0xDD00;
	s13 =	sadd.s32 s3, s13  }
0x37: {  	[tilespmem:s23], [sflag:$0x7] =	stream.strided.gather [hbm4b:s13+s11], $0x800, s12, s11, $0x38;
	[tilespmem:$0x18700] =	vst v63  }
0x38: {  	v3 =	vld [tilespmem:$0x4];
	_ =	sdelay $0x1  }
0x39: {  	v60 =	vld [tilespmem:$0x284];
	_ =	sdelay $0x2  }
0x3a: {  	(v2sf) =	vpush v3, $0x0;
	_ =	sdelay $0x1  }
0x3b: {  	(v2sf) =	vpush v60, $0x0;
	_ =	sdelay $0x1  }
0x3c: {  	(v2sf) =	vpush v3, $0x1  }
0x3d: {  	(v2sf) =	vpush v60, $0x1;
	_ =	sdelay $0x5  }
0x3e: {  	(v2sf) =	vpush v3, $0x2;
	_ =	sdelay $0x3  }
0x3f: {  	s14 =	spop (v2sf)  }
0x40: {  	(v2sf) =	vpush v60, $0x2;
	s13 =	sand.u32 $0xFFFFF80, s14  }
0x41: {  	s15 =	simm.s32 $0x2500;
	s16 =	spop (v2sf);
	s13 =	sadd.s32 s1, s13  }
0x42: {  	(v2sf) =	vpush v3, $0x3;
	[tilespmem:s15], [sflag:$0x2] =	stream.strided.gather [hbm4b:s13+s11], $0x800, s12, s11, $0x38;
	[tilespmem:$0x18700] =	vst v63  }
0x43: {  	s18 =	spop (v2sf);
	s13 =	sand.u32 $0xFFFFF80, s16  }
0x44: {  	s17 =	simm.s32 $0xE500;
	s20 =	spop (v2sf);
	s13 =	sadd.s32 s3, s13  }
0x45: {  	(v2sf) =	vpush v60, $0x3;
	[tilespmem:s17], [sflag:$0x8] =	stream.strided.gather [hbm4b:s13+s11], $0x800, s12, s11, $0x38;
	[tilespmem:$0x18700] =	vst v63  }
0x46: {  	s13 =	sand.u32 $0xFFFFF80, s18  }
0x47: {  	s19 =	simm.s32 $0x2D00;
	s13 =	sadd.s32 s1, s13  }
0x48: {  	[tilespmem:s19], [sflag:$0x2] =	stream.strided.gather [hbm4b:s13+s11], $0x800, s12, s11, $0x38;
	[tilespmem:$0x18700] =	vst v63  }
0x49: {  	s13 =	sand.u32 $0xFFFFF80, s20  }
0x4a: {  	s21 =	simm.s32 $0xED00;
	s22 =	spop (v2sf);
	s13 =	sadd.s32 s3, s13  }
0x4b: {  	[tilespmem:s21], [sflag:$0x8] =	stream.strided.gather [hbm4b:s13+s11], $0x800, s12, s11, $0x38;
	[tilespmem:$0x18700] =	vst v63  }
0x4c: {  	s13 =	sand.u32 $0xFFFFF80, s22  }
0x4d: {  	s23 =	simm.s32 $0x3500;
	s13 =	sadd.s32 s1, s13  }
0x4e: {  	[tilespmem:s23], [sflag:$0x2] =	stream.strided.gather [hbm4b:s13+s11], $0x800, s12, s11, $0x38;
	[tilespmem:$0x18700] =	vst v63  }
0x4f: {  	s14 =	spop (v2sf)  }
0x50: {  	s13 =	sand.u32 $0xFFFFF80, s14  }
0x51: {  	s15 =	simm.s32 $0xF500;
	s16 =	spop (v2sf);
	s13 =	sadd.s32 s3, s13  }
0x52: {  	[tilespmem:s15], [sflag:$0x8] =	stream.strided.gather [hbm4b:s13+s11], $0x800, s12, s11, $0x38;
	[tilespmem:$0x18700] =	vst v63  }
0x53: {  	s13 =	sand.u32 $0xFFFFF80, s16  }
0x54: {  	s17 =	simm.s32 $0x3D00;
	s18 =	spop (v2sf);
	s13 =	sadd.s32 s1, s13  }
0x55: {  	[tilespmem:s17], [sflag:$0x2] =	stream.strided.gather [hbm4b:s13+s11], $0x800, s12, s11, $0x38;
	[tilespmem:$0x18700] =	vst v63  }
0x56: {  	s13 =	sand.u32 $0xFFFFF80, s18  }
0x57: {  	s19 =	simm.s32 $0xFD00;
	s13 =	sadd.s32 s3, s13  }
0x58: {  	[tilespmem:s19], [sflag:$0x8] =	stream.strided.gather [hbm4b:s13+s11], $0x800, s12, s11, $0x38;
	[tilespmem:$0x18700] =	vst v63  }
0x59: {  	v3 =	vld [tilespmem:$0x8];
	_ =	sdelay $0x1  }
0x5a: {  	v61 =	vld [tilespmem:$0x288];
	_ =	sdelay $0x2  }
0x5b: {  	(v2sf) =	vpush v3, $0x0;
	_ =	sdelay $0x1  }
0x5c: {  	(v2sf) =	vpush v61, $0x0;
	_ =	sdelay $0x1  }
0x5d: {  	(v2sf) =	vpush v3, $0x1  }
0x5e: {  	(v2sf) =	vpush v61, $0x1;
	_ =	sdelay $0x5  }
0x5f: {  	(v2sf) =	vpush v3, $0x2;
	_ =	sdelay $0x3  }
0x60: {  	s20 =	spop (v2sf)  }
0x61: {  	(v2sf) =	vpush v61, $0x2;
	s13 =	sand.u32 $0xFFFFF80, s20  }
0x62: {  	s21 =	simm.s32 $0x4500;
	s22 =	spop (v2sf);
	s13 =	sadd.s32 s1, s13  }
0x63: {  	(v2sf) =	vpush v3, $0x3;
	[tilespmem:s21], [sflag:$0x3] =	stream.strided.gather [hbm4b:s13+s11], $0x800, s12, s11, $0x38;
	[tilespmem:$0x18700] =	vst v63  }
0x64: {  	s14 =	spop (v2sf);
	s13 =	sand.u32 $0xFFFFF80, s22  }
0x65: {  	s23 =	simm.s32 $0x10500;
	s16 =	spop (v2sf);
	s13 =	sadd.s32 s3, s13  }
0x66: {  	(v2sf) =	vpush v61, $0x3;
	[tilespmem:s23], [sflag:$0x9] =	stream.strided.gather [hbm4b:s13+s11], $0x800, s12, s11, $0x38;
	[tilespmem:$0x18700] =	vst v63  }
0x67: {  	s13 =	sand.u32 $0xFFFFF80, s14  }
0x68: {  	s15 =	simm.s32 $0x4D00;
	s13 =	sadd.s32 s1, s13  }
0x69: {  	[tilespmem:s15], [sflag:$0x3] =	stream.strided.gather [hbm4b:s13+s11], $0x800, s12, s11, $0x38;
	[tilespmem:$0x18700] =	vst v63  }
0x6a: {  	s13 =	sand.u32 $0xFFFFF80, s16  }
0x6b: {  	s17 =	simm.s32 $0x10D00;
	s18 =	spop (v2sf);
	s13 =	sadd.s32 s3, s13  }
0x6c: {  	[tilespmem:s17], [sflag:$0x9] =	stream.strided.gather [hbm4b:s13+s11], $0x800, s12, s11, $0x38;
	[tilespmem:$0x18700] =	vst v63  }
0x6d: {  	s13 =	sand.u32 $0xFFFFF80, s18  }
0x6e: {  	s19 =	simm.s32 $0x5500;
	s13 =	sadd.s32 s1, s13  }
0x6f: {  	[tilespmem:s19], [sflag:$0x3] =	stream.strided.gather [hbm4b:s13+s11], $0x800, s12, s11, $0x38;
	[tilespmem:$0x18700] =	vst v63  }
0x70: {  	s20 =	spop (v2sf)  }
0x71: {  	s13 =	sand.u32 $0xFFFFF80, s20  }
0x72: {  	s21 =	simm.s32 $0x11500;
	s22 =	spop (v2sf);
	s13 =	sadd.s32 s3, s13  }
0x73: {  	[tilespmem:s21], [sflag:$0x9] =	stream.strided.gather [hbm4b:s13+s11], $0x800, s12, s11, $0x38;
	[tilespmem:$0x18700] =	vst v63  }
0x74: {  	s13 =	sand.u32 $0xFFFFF80, s22  }
0x75: {  	s23 =	simm.s32 $0x5D00;
	s14 =	spop (v2sf);
	s13 =	sadd.s32 s1, s13  }
0x76: {  	[tilespmem:s23], [sflag:$0x3] =	stream.strided.gather [hbm4b:s13+s11], $0x800, s12, s11, $0x38;
	[tilespmem:$0x18700] =	vst v63  }
0x77: {  	s13 =	sand.u32 $0xFFFFF80, s14  }
0x78: {  	s15 =	simm.s32 $0x11D00;
	s13 =	sadd.s32 s3, s13  }
0x79: {  	[tilespmem:s15], [sflag:$0x9] =	stream.strided.gather [hbm4b:s13+s11], $0x800, s12, s11, $0x38;
	[tilespmem:$0x18700] =	vst v63  }
0x7a: {  	v3 =	vld [tilespmem:$0xC];
	_ =	sdelay $0x1  }
0x7b: {  	v62 =	vld [tilespmem:$0x28C];
	_ =	sdelay $0x2  }
0x7c: {  	(v2sf) =	vpush v3, $0x0;
	_ =	sdelay $0x1  }
0x7d: {  	(v2sf) =	vpush v62, $0x0;
	_ =	sdelay $0x1  }
0x7e: {  	(v2sf) =	vpush v3, $0x1  }
0x7f: {  	(v2sf) =	vpush v62, $0x1;
	_ =	sdelay $0x5  }
0x80: {  	(v2sf) =	vpush v3, $0x2;
	_ =	sdelay $0x3  }
0x81: {  	s16 =	spop (v2sf)  }
0x82: {  	(v2sf) =	vpush v62, $0x2;
	s13 =	sand.u32 $0xFFFFF80, s16  }
0x83: {  	s17 =	simm.s32 $0x6500;
	s18 =	spop (v2sf);
	s13 =	sadd.s32 s1, s13  }
0x84: {  	(v2sf) =	vpush v3, $0x3;
	[tilespmem:s17], [sflag:$0x4] =	stream.strided.gather [hbm4b:s13+s11], $0x800, s12, s11, $0x38;
	[tilespmem:$0x18700] =	vst v63  }
0x85: {  	s20 =	spop (v2sf);
	s13 =	sand.u32 $0xFFFFF80, s18  }
0x86: {  	s19 =	simm.s32 $0x12500;
	s22 =	spop (v2sf);
	s13 =	sadd.s32 s3, s13  }
0x87: {  	(v2sf) =	vpush v62, $0x3;
	[tilespmem:s19], [sflag:$0xA] =	stream.strided.gather [hbm4b:s13+s11], $0x800, s12, s11, $0x38;
	[tilespmem:$0x18700] =	vst v63  }
0x88: {  	s13 =	sand.u32 $0xFFFFF80, s20  }
0x89: {  	s21 =	simm.s32 $0x6D00;
	s13 =	sadd.s32 s1, s13  }
0x8a: {  	[tilespmem:s21], [sflag:$0x4] =	stream.strided.gather [hbm4b:s13+s11], $0x800, s12, s11, $0x38;
	[tilespmem:$0x18700] =	vst v63  }
0x8b: {  	s13 =	sand.u32 $0xFFFFF80, s22  }
0x8c: {  	s23 =	simm.s32 $0x12D00;
	s14 =	spop (v2sf);
	s13 =	sadd.s32 s3, s13  }
0x8d: {  	[tilespmem:s23], [sflag:$0xA] =	stream.strided.gather [hbm4b:s13+s11], $0x800, s12, s11, $0x38;
	[tilespmem:$0x18700] =	vst v63  }
0x8e: {  	s13 =	sand.u32 $0xFFFFF80, s14  }
0x8f: {  	s15 =	simm.s32 $0x7500;
	s13 =	sadd.s32 s1, s13  }
0x90: {  	[tilespmem:s15], [sflag:$0x4] =	stream.strided.gather [hbm4b:s13+s11], $0x800, s12, s11, $0x38;
	[tilespmem:$0x18700] =	vst v63  }
0x91: {  	s16 =	spop (v2sf)  }
0x92: {  	s13 =	sand.u32 $0xFFFFF80, s16  }
0x93: {  	s17 =	simm.s32 $0x13500;
	s18 =	spop (v2sf);
	s13 =	sadd.s32 s3, s13  }
0x94: {  	[tilespmem:s17], [sflag:$0xA] =	stream.strided.gather [hbm4b:s13+s11], $0x800, s12, s11, $0x38;
	[tilespmem:$0x18700] =	vst v63  }
0x95: {  	s13 =	sand.u32 $0xFFFFF80, s18  }
0x96: {  	s19 =	simm.s32 $0x7D00;
	s20 =	spop (v2sf);
	s13 =	sadd.s32 s1, s13  }
0x97: {  	[tilespmem:s19], [sflag:$0x4] =	stream.strided.gather [hbm4b:s13+s11], $0x800, s12, s11, $0x38;
	[tilespmem:$0x18700] =	vst v63  }
0x98: {  	s13 =	sand.u32 $0xFFFFF80, s20  }
0x99: {  	s21 =	simm.s32 $0x13D00;
	s13 =	sadd.s32 s3, s13  }
0x9a: {  	[tilespmem:s21], [sflag:$0xA] =	stream.strided.gather [hbm4b:s13+s11], $0x800, s12, s11, $0x38;
	[tilespmem:$0x18700] =	vst v63  }
0x9b: {  	v3 =	vld [tilespmem:$0x10]  }
0x9c: {  	v63 =	vld [tilespmem:$0x290];
	_ =	sdelay $0x3  }
0x9d: {  	(v2sf) =	vpush v3, $0x0  }
0x9e: {  	(v2sf) =	vpush v63, $0x0;
	_ =	sdelay $0x1  }
0x9f: {  	(v2sf) =	vpush v3, $0x1;
	_ =	sdelay $0x4  }
0xa0: {  	(v2sf) =	vpush v63, $0x1  }
0xa1: {  	(v2sf) =	vpush v3, $0x2;
	_ =	sdelay $0x5  }
0xa2: {  	s22 =	spop (v2sf);
	(v2sf) =	vpush v63, $0x2  }
0xa3: {  	s23 =	spop (v2sf);
	(v2sf) =	vpush v3, $0x3  }
0xa4: {  	s13 =	sand.u32 $0xFFFFF80, s22  }
0xa5: {  	s13 =	sadd.s32 s1, s13;
	s14 =	spop (v2sf)  }
0xa6: {  	(v2sf) =	vpush v63, $0x3;
	[tilespmem:s24], [sflag:$0x5] =	stream.strided.gather [hbm4b:s13+s11], $0x800, s12, s11, $0x38;
	[tilespmem:$0x18700] =	vst v63  }
0xa7: {  	s13 =	sand.u32 $0xFFFFF80, s23  }
0xa8: {  	s13 =	sadd.s32 s3, s13  }
0xa9: {  	[tilespmem:s25], [sflag:$0xB] =	stream.strided.gather [hbm4b:s13+s11], $0x800, s12, s11, $0x38;
	[tilespmem:$0x18700] =	vst v63  }
0xaa: {  	s15 =	spop (v2sf);
	s13 =	sand.u32 $0xFFFFF80, s14  }
0xab: {  	s16 =	sand.u32 $0xFFFFF80, s15;
	s17 =	spop (v2sf);
	s13 =	sadd.s32 s1, s13  }
0xac: {  	[tilespmem:s26], [sflag:$0x5] =	stream.strided.gather [hbm4b:s13+s11], $0x800, s12, s11, $0x38;
	[tilespmem:$0x18700] =	vst v63  }
0xad: {  	s18 =	sand.u32 $0xFFFFF80, s17;
	s13 =	sadd.s32 s3, s16  }
0xae: {  	[tilespmem:s28], [sflag:$0xB] =	stream.strided.gather [hbm4b:s13+s11], $0x800, s12, s11, $0x38;
	[tilespmem:$0x18700] =	vst v63  }
0xaf: {  	s13 =	sadd.s32 s1, s18  }
0xb0: {  	[tilespmem:s29], [sflag:$0x5] =	stream.strided.gather [hbm4b:s13+s11], $0x800, s12, s11, $0x38;
	[tilespmem:$0x18700] =	vst v63  }
0xb1: {  	s19 =	spop (v2sf)  }
0xb2: {  	s20 =	sand.u32 $0xFFFFF80, s19;
	s21 =	spop (v2sf)  }
0xb3: {  	s13 =	sadd.s32 s3, s20;
	s22 =	sand.u32 $0xFFFFF80, s21  }
0xb4: {  	[tilespmem:s30], [sflag:$0xB] =	stream.strided.gather [hbm4b:s13+s11], $0x800, s12, s11, $0x38;
	[tilespmem:$0x18700] =	vst v63  }
0xb5: {  	s23 =	spop (v2sf);
	s13 =	sadd.s32 s1, s22  }
0xb6: {  	[tilespmem:s31], [sflag:$0x5] =	stream.strided.gather [hbm4b:s13+s11], $0x800, s12, s11, $0x38;
	[tilespmem:$0x18700] =	vst v63  }
0xb7: {  	s13 =	sand.u32 $0xFFFFF80, s23  }
0xb8: {  	s13 =	sadd.s32 s3, s13  }
0xb9: {  	[tilespmem:s0], [sflag:$0xB] =	stream.strided.gather [hbm4b:s13+s11], $0x800, s12, s11, $0x38;
	[tilespmem:$0x18700] =	vst v63  }
0xba: {  	s15 =	simm.s32 $0x0;
	s14 =	simm.s32 $0x0;
	s13 =	simm.s32 $0x0  }
.LBB2_2:
0xbb: {  	p0 =	sgt.u32 s15, $0x7A  }
0xbc: {  	s16 =	sshra.s32 @!p0 s14, $0x2  }
0xbd: {  	v3 =	vld @!p0 [tilespmem:s16+$0x14];
	_ =	sdelay $0x3  }
0xbe: {  	v4 =	vld @!p0 [tilespmem:s16+$0x294]  }
0xbf: {  	(v2sf) =	vpush @!p0 v3, $0x0;
	_ =	sdelay $0x3  }
0xc0: {  	(v2sf) =	vpush @!p0 v4, $0x0;
	_ =	sdelay $0x2  }
0xc1: {  	s16 =	sadd.s32 @!p0 $0x5, s15  }
0xc2: {  	s17 =	smul.u32 @!p0 $0xAB, s16;
	(v2sf) =	vpush @!p0 v3, $0x1;
	_ =	sdelay $0x1  }
0xc3: {  	s17 =	sshrl.u32 @!p0 s17, $0xA  }
0xc4: {  	s17 =	sand.u32 @!p0 $0x3F, s17  }
0xc5: {  	s17 =	smul.u32 @!p0 $0x6, s17;
	(v2sf) =	vpush @!p0 v4, $0x1;
	_ =	sdelay $0x1  }
0xc6: {  	s16 =	ssub.s32 @!p0 s16, s17  }
0xc7: {  	s22 =	simm.s32 @!p0 $0x7A1400;
	s16 =	sand.u32 @!p0 $0xFF, s16;
	s18 =	spop @!p0 (v2sf)  }
0xc8: {  	s21 =	simm.s32 @!p0 $0x400;
	s17 =	sshll.u32 @!p0 s16, $0xD;
	(v2sf) =	vpush @!p0 v3, $0x2;
	s18 =	sand.u32 @!p0 $0xFFFFF80, s18  }
0xc9: {  	s19 =	sadd.s32 @!p0 $0x1, s16;
	s20 =	sor.u32 @!p0 $0x500, s17;
	s18 =	sadd.s32 @!p0 s1, s18  }
0xca: {  	[tilespmem:s20], [sflag:s19] =	stream.strided.gather @!p0 [hbm4b:s18+s21], $0x800, s22, s21, $0x38;
	[tilespmem:$0x18700] =	vst v63  }
0xcb: {  	s18 =	spop @!p0 (v2sf)  }
0xcc: {  	(v2sf) =	vpush @!p0 v4, $0x2;
	s18 =	sand.u32 @!p0 $0xFFFFF80, s18  }
0xcd: {  	s16 =	sadd.s32 @!p0 $0x7, s16;
	s20 =	sadd.s32 @!p0 $0xC500, s17;
	s18 =	sadd.s32 @!p0 s3, s18  }
0xce: {  	[tilespmem:s20], [sflag:s16] =	stream.strided.gather @!p0 [hbm4b:s18+s21], $0x800, s22, s21, $0x38;
	[tilespmem:$0x18700] =	vst v63  }
0xcf: {  	s18 =	spop @!p0 (v2sf)  }
0xd0: {  	(v2sf) =	vpush @!p0 v3, $0x3;
	s18 =	sand.u32 @!p0 $0xFFFFF80, s18  }
0xd1: {  	s20 =	sor.u32 @!p0 $0xD00, s17;
	s18 =	sadd.s32 @!p0 s1, s18  }
0xd2: {  	[tilespmem:s20], [sflag:s19] =	stream.strided.gather @!p0 [hbm4b:s18+s21], $0x800, s22, s21, $0x38;
	[tilespmem:$0x18700] =	vst v63  }
0xd3: {  	s18 =	spop @!p0 (v2sf)  }
0xd4: {  	(v2sf) =	vpush @!p0 v4, $0x3;
	s18 =	sand.u32 @!p0 $0xFFFFF80, s18  }
0xd5: {  	s20 =	sadd.s32 @!p0 $0xCD00, s17;
	s18 =	sadd.s32 @!p0 s3, s18  }
0xd6: {  	[tilespmem:s20], [sflag:s16] =	stream.strided.gather @!p0 [hbm4b:s18+s21], $0x800, s22, s21, $0x38;
	[tilespmem:$0x18700] =	vst v63  }
0xd7: {  	s18 =	spop @!p0 (v2sf)  }
0xd8: {  	s18 =	sand.u32 @!p0 $0xFFFFF80, s18  }
0xd9: {  	s20 =	sor.u32 @!p0 $0x1500, s17;
	s18 =	sadd.s32 @!p0 s1, s18  }
0xda: {  	[tilespmem:s20], [sflag:s19] =	stream.strided.gather @!p0 [hbm4b:s18+s21], $0x800, s22, s21, $0x38;
	[tilespmem:$0x18700] =	vst v63  }
0xdb: {  	s18 =	spop @!p0 (v2sf)  }
0xdc: {  	s18 =	sand.u32 @!p0 $0xFFFFF80, s18  }
0xdd: {  	s23 =	sadd.s32 @!p0 $0xD500, s17;
	s20 =	smul.u32 $0xAB, s15;
	s18 =	sadd.s32 @!p0 s3, s18  }
0xde: {  	[tilespmem:s23], [sflag:s16] =	stream.strided.gather @!p0 [hbm4b:s18+s21], $0x800, s22, s21, $0x38;
	[tilespmem:$0x18700] =	vst v63  }
0xdf: {  	s23 =	sshrl.u32 s20, $0xA;
	s20 =	spop @!p0 (v2sf)  }
0xe0: {  	s18 =	sand.u32 $0x3F, s23;
	s20 =	sand.u32 @!p0 $0xFFFFF80, s20  }
0xe1: {  	s23 =	sor.u32 @!p0 $0x1D00, s17;
	s18 =	smul.u32 $0x6, s18;
	s20 =	sadd.s32 @!p0 s1, s20  }
0xe2: {  	[tilespmem:s23], [sflag:s19] =	stream.strided.gather @!p0 [hbm4b:s20+s21], $0x800, s22, s21, $0x38;
	[tilespmem:$0x18700] =	vst v63  }
0xe3: {  	s19 =	spop @!p0 (v2sf)  }
0xe4: {  	s18 =	ssub.s32 s15, s18;
	s19 =	sand.u32 @!p0 $0xFFFFF80, s19  }
0xe5: {  	s17 =	sadd.s32 @!p0 $0xDD00, s17;
	s18 =	sand.u32 $0xFF, s18;
	s19 =	sadd.s32 @!p0 s3, s19  }
0xe6: {  	[tilespmem:s17], [sflag:s16] =	stream.strided.gather @!p0 [hbm4b:s19+s21], $0x800, s22, s21, $0x38;
	[tilespmem:$0x18700] =	vst v63  }
0xe7: {  	s21 =	sadd.s32 $0x1, s18  }
0xe8: {  	_ =	swait.ge [sflag:s21], $0x2000  }
0xe9: {  	[sflag:s21] =	ssyncset.done $0x0  }
0xea: {  	s22 =	sadd.s32 $0x7, s18;
	[sflag:s21] =	ssyncadd.s32 $0xFFFFE000  }
0xeb: {  	_ =	swait.ge [sflag:s22], $0x2000  }
0xec: {  	[sflag:s22] =	ssyncset.done $0x0  }
0xed: {  	s23 =	sshra.s32 s14, $0x2;
	[sflag:s22] =	ssyncadd.s32 $0xFFFFE000  }
0xee: {  	v3 =	vld [tilespmem:s23+$0x0]  }
0xef: {  	v50 =	vld [tilespmem:s23+$0x280];
	_ =	sdelay $0x3  }
0xf0: {  	(v2sf) =	vpush v3, $0x0  }
0xf1: {  	(v2sf) =	vpush v50, $0x0  }
0xf2: {  	(v2sf) =	vpush v3, $0x1  }
0xf3: {  	(v2sf) =	vpush v50, $0x1  }
0xf4: {  	(v2sf) =	vpush v3, $0x2  }
0xf5: {  	(v2sf) =	vpush v50, $0x2  }
0xf6: {  	(v2sf) =	vpush v3, $0x3  }
0xf7: {  	(v2sf) =	vpush v50, $0x3;
	_ =	sdelay $0x7  }
0xf8: {  	s17 =	spop (v2sf)  }
0xf9: {  	s19 =	spop (v2sf);
	s16 =	sand.u32 $0x7F, s17  }
0xfa: {  	s20 =	spop (v2sf);
	s17 =	sand.u32 $0x7F, s19;
	v3 =	vor.u32 s16, v1  }
0xfb: {  	s21 =	spop (v2sf);
	v51 =	vor.u32 s17, v1;
	s22 =	sand.u32 $0x7F, s20  }
0xfc: {  	s23 =	spop (v2sf);
	s16 =	sand.u32 $0x7F, s21;
	v5 =	vor.u32 s22, v1  }
0xfd: {  	s18 =	sshll.u32 s18, $0xD;
	s20 =	spop (v2sf);
	v6 =	vor.u32 s16, v1;
	s21 =	sand.u32 $0x7F, s23  }
0xfe: {  	s22 =	sor.u32 $0x500, s18;
	s17 =	sand.u32 $0x7F, s20;
	v7 =	vor.u32 s21, v1;
	s23 =	spop (v2sf)  }
0xff: {  	v3 =	vld.idx.msk [tilespmem:v3+s22+$0x0], $0xffff;
	v8 =	vor.u32 s17, v1;
	s16 =	sand.u32 $0x7F, s23;
	s21 =	spop (v2sf)  }
0x100: {  	s20 =	sor.u32 $0xD00, s18;
	v4 =	vld.idx.msk [tilespmem:v51+s18+$0xC500], $0xffff;
	s22 =	sand.u32 $0x7F, s21;
	v9 =	vor.u32 s16, v1  }
0x101: {  	v5 =	vld.idx.msk [tilespmem:v5+s20+$0x0], $0xffff;
	v10 =	vor.u32 s22, v1  }
0x102: {  	s23 =	sor.u32 $0x1500, s18;
	v6 =	vld.idx.msk [tilespmem:v6+s18+$0xCD00], $0xffff  }
0x103: {  	v7 =	vld.idx.msk [tilespmem:v7+s23+$0x0], $0xffff  }
0x104: {  	s17 =	sor.u32 $0x1D00, s18;
	v8 =	vld.idx.msk [tilespmem:v8+s18+$0xD500], $0xffff  }
0x105: {  	v52 =	vld.idx.msk [tilespmem:v9+s17+$0x0], $0xffff  }
0x106: {  	v3 =	vmul.f32 v4, v3;
	v53 =	vld.idx.msk [tilespmem:v10+s18+$0xDD00], $0xffff;
	_ =	sdelay $0x1  }
0x107: {  	(xrf2) =	vadd.scan.msk.f32 $0xffff, v3;
	v3 =	vmul.f32 v6, v5  }
0x108: {  	v54 =	vmul.f32 v8, v7  }
0x109: {  	(xrf2) =	vadd.scan.msk.f32 $0xffff, v3  }
0x10a: {  	(xrf2) =	vadd.scan.msk.f32 $0xffff, v54;
	v3 =	vmul.f32 v53, v52;
	_ =	sdelay $0x1  }
0x10b: {  	(xrf2) =	vadd.scan.msk.f32 $0xffff, v3;
	_ =	sdelay $0x4  }
0x10c: {  	s16 =	sand.u32 $0xC, s13  }
0x10d: {  	v55 =	vmov s16;
	v3, _, _ =	vpop (xrf2)  }
0x10e: {  	s21 =	sand.u32 $0x7C0, s14;
	s19 =	sor.u32 $0x1, s16;
	s20 =	sor.u32 $0x2, s16;
	vm0 =	veq.s32 v55, v0;
	v3 =	vbroadcast v3, $0xF;
	v56, _, _ =	vpop (xrf2)  }
0x10f: {  	s22 =	sshrl.u32 s21, $0x2;
	v58 =	vmov s19;
	v59 =	vmov s20;
	v5 =	vbroadcast v56, $0xF;
	v57, _, _ =	vpop (xrf2)  }
0x110: {  	s15 =	sadd.s32 $0x1, s15;
	v60 =	vld [tilespmem:s22+$0x18500];
	vm12 =	veq.s32 v58, v0;
	s23 =	sor.u32 $0x3, s16;
	v3 =	vnsel vm0, $0x0, v3;
	v6 =	vbroadcast v57, $0xF  }
0x111: {  	p0 =	sne.s32 s15, $0x80;
	vm13 =	veq.s32 v59, v0;
	s16 =	sadd.s32 $0x4, s16;
	v62 =	vmov s23;
	v3 =	vsel vm12, v5, v3;
	v61, _, _ =	vpop (xrf2)  }
.Ltmp0:
0x112: {  	v63 =	vmov s16;
	v3 =	vsel vm13, v6, v3;
	v6 =	vbroadcast v61, $0xF;
	(pc) =	sbr.rel @p0 .LBB2_2-.Ltmp0, $4  }
0x113: {  	vm1 =	vlt.u32 v55, v2;
	vm14 =	veq.s32 v62, v0;
	vm2 =	vgt.u32 v63, v0  }
0x114: {  	vm15 =	vmand vm1, vm2;
	v3 =	vsel vm14, v6, v3  }
0x115: {  	v3 =	vsel vm15, v3, v60  }
0x116: {  	s14 =	sadd.s32 $0x10, s14;
	s13 =	sadd.s32 $0x4, s13;
	[tilespmem:s22+$0x18500] =	vst v3  }
0x117: {  	s10 =	sadd.s32 $0x1, s10  }
0x118: {  	p0 =	sne.s32 s10, s8  }
.Ltmp1:
0x119: {  	_ = 	snop;
	(pc) =	sbr.rel @p0 .LBB2_1-.Ltmp1, $4  }
0x11a: {  	[hbm4b:s7+s4] =	stream.linear.scatter [tilespmem:s2], [sflag:$0xD], $0x200, $0x38;
	[tilespmem:$0x18700] =	vst v63  }
0x11b: {  	_ =	swait.ge [sflag:s9], $0x200  }
0x11c: {  	[sflag:s9] =	ssyncset.done $0x0  }
0x11d: {  	[sflag:s9] =	ssyncadd.s32 $0xFFFFFE00  }
0x11e: {  	_ =	sfence.sel $0x180000  }
0x11f: {  	[bflag:$0x0] =	sbarrier.arrive $0xFFFF  }
0x120: {  	_ =	strace $0x90000047  }
0x121: {  	s0 =	stileid.u32;
	[bflag:$0x2] =	sbarrier.arrive $0xFFFF  }
0x122: {  	p0 =	sne.s32 s0, $0x0;
	s0 =	rddreg [dreg:$0x4]  }
0x123: {  	s0 =	sadd.s32 @!p0 $0x100000, s0  }
0x124: {  	[sflag:s0] =	ssyncadd.tile.s32 @!p0 $0x1;
	_ =	shalt  }
.Lfunc_end2:
_tile_overlayer_lowered:
.L_overlay_start_2:
0x125: {  	(tag) =	ssettag $0x2  }
0x126: {  	s0 =	rddreg [dreg:$0x0];
	s2 =	stileid.u32  }
0x127: {  	s1 =	rddreg [dreg:$0x1];
	p0 =	sne.s32 s2, $0x0  }
0x128: {  	s3 =	rddreg [dreg:$0x2];
	[bflag:$0x3] =	sbarrier.arrive $0xFFFF;
	s2 =	simm.s32 @!p0 $0x1C0D  }
0x129: {  	[timem:s3], [sflag:s2] =	dma.local @!p0 [hbm:s0], s1  }
0x12a: {  	s0 =	simm.s32 @!p0 $0xD  }
0x12b: {  	_ =	swait.ge @!p0 [sflag:s0], s1  }
0x12c: {  	s1 =	ssub.s32 @!p0 $0x0, s1;
	[sflag:s0] =	ssyncset.done @!p0 $0x0  }
0x12d: {  	[sflag:s0] =	ssyncadd.s32 @!p0 s1  }
0x12e: {  	[bflag:$0x3] =	sbarrier.arrive $0xFFFF  }
0x12f: {  	_ =	shalt  }

</sc_bundles>
